<compile_context>
chip_gen: v7x
topology: tpu7x:2x2x1
jax: 0.10.2.dev20260603
libtpu: 0.0.44.dev20260713+nightly
codegen_flags: <defaults>
</compile_context>

<pallas_src>
import functools

import jax
import jax.numpy as jnp
from jax import lax
from jax.experimental import pallas as pl
from jax.experimental.pallas import tpu as pltpu
from jax.experimental.pallas import tpu_sc as plsc

NUM_SEGMENTS = 16384
NUM_ATOM_TYPES = 100
TYPE_PAD = 128
HIDDEN = 64
N_ATOMS = 800000

NUM_CORES = 2
NUM_SUBCORES = 16
NW = NUM_CORES * NUM_SUBCORES

SEG_PER_TILE = NUM_SEGMENTS // NW
IBUF = 12800
NBND = 64
BND_STRIDE = 256


def _sc_hist_body(z_hbm, b_hbm, bnd_hbm, out_hbm, zb0, zb1, bb0, bb1,
                  bndvec, hist, sem):
    c = lax.axis_index("c")
    s = lax.axis_index("s")
    wid = c * NUM_SUBCORES + s
    lo_seg = wid * SEG_PER_TILE
    hi_seg = lo_seg + SEG_PER_TILE

    pltpu.sync_copy(bnd_hbm, bndvec)
    lanes = jax.lax.broadcasted_iota(jnp.int32, (16,), 0)

    def _bnd(w):
        vec = bndvec[pl.ds((w // 16) * 16, 16)]
        onehot = jnp.int32(1) - jnp.minimum(jnp.abs(lanes - w % 16),
                                            jnp.int32(1))
        return jnp.sum(vec * onehot)

    b_lo = _bnd(wid)
    b_hi = _bnd(NW + wid)
    start0 = (b_lo // 8) * 8
    nbatch = (b_hi - start0 + IBUF - 1) // IBUF

    def _base(t):
        bu = start0 + t * IBUF
        return jnp.minimum(bu, N_ATOMS - IBUF), bu

    def _fire(t, zb, bb):
        base, _ = _base(t)
        pltpu.async_copy(z_hbm.at[pl.ds(base, IBUF)], zb, sem)
        pltpu.async_copy(b_hbm.at[pl.ds(base, IBUF)], bb, sem)

    @pl.when(nbatch > 0)
    def _fire0():
        _fire(0, zb0, bb0)

    zeros = jnp.zeros((16,), jnp.float32)

    @pl.loop(0, SEG_PER_TILE)
    def _zero(i):
        for j in range(TYPE_PAD // 16):
            hist[i, pl.ds(j * 16, 16)] = zeros

    one = jnp.float32(1.0)
    zero = jnp.float32(0.0)

    def _step(t, zcur, bcur, znxt, bnxt):
        base, bu = _base(t)
        off = bu - base
        pltpu.make_async_copy(z_hbm.at[pl.ds(base, IBUF)], zcur,
                              sem).wait()
        pltpu.make_async_copy(b_hbm.at[pl.ds(base, IBUF)], bcur,
                              sem).wait()

        @pl.when(t + 1 < nbatch)
        def _prefetch():
            _fire(t + 1, znxt, bnxt)

        @plsc.parallel_loop(0, IBUF // 16, unroll=8)
        def _scan(k):
            vz = zcur[pl.ds(k * 16, 16)]
            vb = bcur[pl.ds(k * 16, 16)]
            m = (vb >= lo_seg) & (vb < hi_seg) & (lanes >= off - k * 16)
            vseg = jnp.where(m, vb - lo_seg, 0)
            plsc.addupdate_scatter(hist, [vseg, vz],
                                   jnp.where(m, one, zero))

    @pl.loop(0, nbatch)
    def _batch(t):
        @pl.when(t % 2 == 0)
        def _even():
            _step(t, zb0, bb0, zb1, bb1)

        @pl.when(t % 2 == 1)
        def _odd():
            _step(t, zb1, bb1, zb0, bb0)

    pltpu.sync_copy(hist, out_hbm.at[pl.ds(wid * SEG_PER_TILE,
                                           SEG_PER_TILE)])


@functools.cache
def _sc_hist():
  return pl.kernel(
    _sc_hist_body,
    out_type=jax.ShapeDtypeStruct((NUM_SEGMENTS, TYPE_PAD), jnp.float32),
    mesh=plsc.VectorSubcoreMesh(core_axis_name="c", subcore_axis_name="s",
                                num_cores=NUM_CORES,
                                num_subcores=NUM_SUBCORES),
    compiler_params=pltpu.CompilerParams(needs_layout_passes=False),
    scratch_types=[
        pltpu.VMEM((IBUF,), jnp.int32),
        pltpu.VMEM((IBUF,), jnp.int32),
        pltpu.VMEM((IBUF,), jnp.int32),
        pltpu.VMEM((IBUF,), jnp.int32),
        pltpu.VMEM((NBND,), jnp.int32),
        pltpu.VMEM((SEG_PER_TILE, TYPE_PAD), jnp.float32),
        pltpu.SemaphoreType.DMA,
    ],
  )


SEG_BLK = 4096


def _mlp_body(h_ref, emb_ref, w1_ref, b1_ref, w2_ref, b2_ref, out_ref):
    hist = h_ref[...]
    counts = jnp.sum(hist, axis=1, keepdims=True)
    sums = jnp.dot(hist, emb_ref[...], preferred_element_type=jnp.float32)
    pooled = sums / jnp.maximum(counts, 1.0)
    h = jnp.maximum(
        jnp.dot(pooled, w1_ref[...], preferred_element_type=jnp.float32)
        + b1_ref[...], 0.0)
    out = (jnp.dot(h, w2_ref[...], preferred_element_type=jnp.float32)
           + b2_ref[...])
    out_ref[...] = out[:, 0]


def _mlp(h, emb, W1, b1, W2, b2):
    return pl.pallas_call(
        _mlp_body,
        grid=(NUM_SEGMENTS // SEG_BLK,),
        in_specs=[
            pl.BlockSpec((SEG_BLK, TYPE_PAD), lambda i: (i, 0)),
            pl.BlockSpec((TYPE_PAD, HIDDEN), lambda i: (0, 0)),
            pl.BlockSpec((HIDDEN, HIDDEN), lambda i: (0, 0)),
            pl.BlockSpec((1, HIDDEN), lambda i: (0, 0)),
            pl.BlockSpec((HIDDEN, 1), lambda i: (0, 0)),
            pl.BlockSpec((1, 1), lambda i: (0, 0)),
        ],
        out_specs=pl.BlockSpec((SEG_BLK,), lambda i: (i,)),
        out_shape=jax.ShapeDtypeStruct((NUM_SEGMENTS,), jnp.float32),
    )(h, emb, W1, b1, W2, b2)


@jax.jit
def kernel(z, batch, emb, W1, b1, W2, b2):
    z = z.astype(jnp.int32)
    batch = batch.astype(jnp.int32)
    sample = batch[::BND_STRIDE]
    pos = jnp.searchsorted(
        sample, jnp.arange(0, NUM_SEGMENTS + 1, SEG_PER_TILE,
                           dtype=jnp.int32),
        method="compare_all").astype(jnp.int32)
    lo = jnp.maximum(pos - 1, 0) * BND_STRIDE
    hi = jnp.minimum(pos * BND_STRIDE, N_ATOMS)
    bnd = jnp.concatenate([lo[:NW], hi[1:NW + 1]])

    hist = _sc_hist()(z, batch, bnd)
    embp = jnp.pad(emb, ((0, TYPE_PAD - NUM_ATOM_TYPES), (0, 0)))
    return _mlp(hist, embp, W1, b1.reshape(1, HIDDEN), W2,
                b2.reshape(1, 1))

# --- scband reference (transcript-rebuilt; emitter-appended) ---
"""Pipeline reference for scband-simple-mlp-90417651515944 (READ-ONLY COPY).

The authoritative reference and input builder live on the scoring server;
editing this copy changes nothing except your own understanding.
"""

import jax, jax.numpy as jnp
import numpy as np

NUM_SEGMENTS = 16384
N_ATOMS = 800000
NUM_ATOM_TYPES = 100
HIDDEN = 64

def setup_inputs(seed: int = 0) -> dict:
    key = jax.random.key(seed)
    k1, k2, k3, k4, k5 = jax.random.split(key, 5)
    z = jax.random.randint(k1, (N_ATOMS,), 0, NUM_ATOM_TYPES)
    batch = jnp.sort(jax.random.randint(k2, (N_ATOMS,), 0, NUM_SEGMENTS))
    emb = jax.random.normal(k3, (NUM_ATOM_TYPES, HIDDEN), dtype=jnp.float32) * 0.02
    W1 = jax.random.normal(k4, (HIDDEN, HIDDEN), dtype=jnp.float32) * (1.0 / jnp.sqrt(HIDDEN))
    b1 = jnp.zeros((HIDDEN,), dtype=jnp.float32)
    W2 = jax.random.normal(k5, (HIDDEN, 1), dtype=jnp.float32) * (1.0 / jnp.sqrt(HIDDEN))
    b2 = jnp.zeros((1,), dtype=jnp.float32)
    return {"z": z, "batch": batch, "emb": emb, "W1": W1, "b1": b1, "W2": W2, "b2": b2}

def reference(z, batch, emb, W1, b1, W2, b2):
    # x = self.emb(batch.z)
    x = jnp.take(emb, z, axis=0)
    # x = global_mean_pool(x, batch.batch)
    sums = jax.ops.segment_sum(x, batch, num_segments=NUM_SEGMENTS)
    counts = jax.ops.segment_sum(jnp.ones((z.shape[0], 1), dtype=x.dtype), batch, num_segments=NUM_SEGMENTS)
    pooled = sums / jnp.maximum(counts, 1.0)
    # self.fc: Linear -> ReLU -> Linear
    h = jnp.maximum(pooled @ W1 + b1, 0.0)
    out = h @ W2 + b2
    return out.reshape(-1)

if __name__ == "__main__":
    import jax
    _d = setup_inputs()
    print(jax.jit(kernel)(*tuple(_d.values())))

</pallas_src>

<mosaic_0001>
#map = affine_map<(d0, d1) -> (0)>
#map1 = affine_map<(d0, d1) -> (0, 0)>
module attributes {stable_mosaic.version = 14 : i64} {
  func.func @_sc_hist_body(%arg0: i32, %arg1: i32, %arg2: memref<800000xi32, #tpu.memory_space<hbm>>, %arg3: memref<800000xi32, #tpu.memory_space<hbm>>, %arg4: memref<64xi32, #tpu.memory_space<hbm>>, %arg5: memref<16384x128xf32, #tpu.memory_space<hbm>>, %arg6: memref<12800xi32, #tpu.memory_space<vmem>>, %arg7: memref<12800xi32, #tpu.memory_space<vmem>>, %arg8: memref<12800xi32, #tpu.memory_space<vmem>>, %arg9: memref<12800xi32, #tpu.memory_space<vmem>>, %arg10: memref<64xi32, #tpu.memory_space<vmem>>, %arg11: memref<512x128xf32, #tpu.memory_space<vmem>>, %arg12: memref<!tpu.dma_semaphore, #tpu.memory_space<semaphore_mem>>) attributes {dimension_semantics = [#tpu.dimension_semantics<core_parallel>, #tpu.dimension_semantics<subcore_parallel>], iteration_bounds = array<i64: 2, 16>, scalar_prefetch = 0 : i64, scratch_operands = 7 : i64, tpu.core_type = #tpu.core_type<sc_vector_subcore>, window_params = [{transform_indices = #map}, {transform_indices = #map}, {transform_indices = #map}, {transform_indices = #map1}]} {
    %mul3A = arith.constant 16 : i32
    %mul3A_0 = arith.muli %arg0, %mul3A : i32
    %add3A = arith.addi %mul3A_0, %arg1 : i32
    %mul3A_1 = arith.constant 512 : i32
    %mul3A_2 = arith.muli %add3A, %mul3A_1 : i32
    %add3A_3 = arith.constant 512 : i32
    %add3A_4 = arith.addi %mul3A_2, %add3A_3 : i32
    "tpu.region"() ({
      %run_scoped3A = tpu.sem_alloc : memref<!tpu.dma_semaphore, #tpu.memory_space<semaphore_mem>>
      tpu.enqueue_dma source(%arg4 : memref<64xi32, #tpu.memory_space<hbm>>) target(%arg10 : memref<64xi32, #tpu.memory_space<vmem>>) target_semaphore(%run_scoped3A : memref<!tpu.dma_semaphore, #tpu.memory_space<semaphore_mem>>)
      tpu.wait_dma2 semaphore(%run_scoped3A : memref<!tpu.dma_semaphore, #tpu.memory_space<semaphore_mem>>) src(%arg4 : memref<64xi32, #tpu.memory_space<hbm>>) dst(%arg10 : memref<64xi32, #tpu.memory_space<vmem>>)
      tpu.yield
    }) : () -> ()
    %iota3A = tpu.iota {dimensions = array<i32: 0>} : vector<16xi32>
    %jit3A = arith.constant 16 : i32
    %div3A = arith.divsi %add3A, %jit3A : i32
    %sign3A = arith.constant 0 : i32
    %sign3A_5 = arith.cmpi sgt, %add3A, %sign3A : i32
    %sign3A_6 = arith.extui %sign3A_5 : i1 to i32
    %sign3A_7 = arith.constant 0 : i32
    %sign3A_8 = arith.cmpi slt, %add3A, %sign3A_7 : i32
    %sign3A_9 = arith.extui %sign3A_8 : i1 to i32
    %sign3A_10 = arith.subi %sign3A_6, %sign3A_9 : i32
    %sign3A_11 = arith.constant 0 : i32
    %sign3A_12 = arith.cmpi sgt, %jit3A, %sign3A_11 : i32
    %sign3A_13 = arith.extui %sign3A_12 : i1 to i32
    %sign3A_14 = arith.constant 0 : i32
    %sign3A_15 = arith.cmpi slt, %jit3A, %sign3A_14 : i32
    %sign3A_16 = arith.extui %sign3A_15 : i1 to i32
    %sign3A_17 = arith.subi %sign3A_13, %sign3A_16 : i32
    %ne3A = arith.cmpi ne, %sign3A_10, %sign3A_17 : i32
    %rem3A = arith.remsi %add3A, %jit3A : i32
    %ne3A_18 = arith.constant 0 : i32
    %ne3A_19 = arith.cmpi ne, %rem3A, %ne3A_18 : i32
    %and3A = arith.andi %ne3A, %ne3A_19 : i1
    %sub3A = arith.constant 1 : i32
    %sub3A_20 = arith.subi %div3A, %sub3A : i32
    %select_n3A = arith.select %and3A, %sub3A_20, %div3A : i32
    %mul3A_21 = arith.constant 16 : i32
    %mul3A_22 = arith.muli %select_n3A, %mul3A_21 : i32
    %get3A = arith.index_cast %mul3A_22 : i32 to index
    %get3A_23 = tpu.vector_load %arg10[%get3A] {strides = array<i32>} : memref<64xi32, #tpu.memory_space<vmem>>, vector<16xi32>,
    %jit3A_24 = arith.constant 16 : i32
    %eq3A = arith.constant 0 : i32
    %eq3A_25 = arith.cmpi eq, %jit3A_24, %eq3A : i32
    %jit3A_26 = arith.constant 1 : i32
    %select_n3A_27 = arith.select %eq3A_25, %jit3A_26, %jit3A_24 : i32
    %rem3A_28 = arith.remsi %add3A, %select_n3A_27 : i32
    %ne3A_29 = arith.constant 0 : i32
    %ne3A_30 = arith.cmpi ne, %rem3A_28, %ne3A_29 : i32
    %lt3A = arith.constant 0 : i32
    %lt3A_31 = arith.cmpi slt, %rem3A_28, %lt3A : i32
    %lt3A_32 = arith.constant 0 : i32
    %lt3A_33 = arith.cmpi slt, %select_n3A_27, %lt3A_32 : i32
    %ne3A_34 = arith.xori %lt3A_31, %lt3A_33 : i1
    %and3A_35 = arith.andi %ne3A_34, %ne3A_30 : i1
    %add3A_36 = arith.addi %rem3A_28, %select_n3A_27 : i32
    %select_n3A_37 = arith.select %and3A_35, %add3A_36, %rem3A_28 : i32
    %sub3A_38 = vector.broadcast %select_n3A_37 : i32 to vector<16xi32>
    %sub3A_39 = arith.subi %iota3A, %sub3A_38 : vector<16xi32>
    %abs3A = math.absi %sub3A_39 : vector<16xi32>
    %min3A = arith.constant 1 : i32
    %min3A_40 = vector.broadcast %min3A : i32 to vector<16xi32>
    %min3A_41 = arith.minsi %abs3A, %min3A_40 : vector<16xi32>
    %sub3A_42 = arith.constant 1 : i32
    %sub3A_43 = vector.broadcast %sub3A_42 : i32 to vector<16xi32>
    %sub3A_44 = arith.subi %sub3A_43, %min3A_41 : vector<16xi32>
    %mul3A_45 = arith.muli %get3A_23, %sub3A_44 : vector<16xi32>
    %reduce_sum3A = arith.constant true
    %reduce_sum3A_46 = vector.broadcast %reduce_sum3A : i1 to vector<16xi1>
    %reduce_sum3A_47 = tpu.scan <sum>, %mul3A_45 masked %reduce_sum3A_46 : vector<16xi32>, vector<16xi1> -> vector<16xi32>
    %reduce_sum3A_48 = vector.extract %reduce_sum3A_47[15] : i32 from vector<16xi32>
    %add3A_49 = arith.constant 32 : i32
    %add3A_50 = arith.addi %add3A_49, %add3A : i32
    %jit3A_51 = arith.constant 16 : i32
    %div3A_52 = arith.divsi %add3A_50, %jit3A_51 : i32
    %sign3A_53 = arith.constant 0 : i32
    %sign3A_54 = arith.cmpi sgt, %add3A_50, %sign3A_53 : i32
    %sign3A_55 = arith.extui %sign3A_54 : i1 to i32
    %sign3A_56 = arith.constant 0 : i32
    %sign3A_57 = arith.cmpi slt, %add3A_50, %sign3A_56 : i32
    %sign3A_58 = arith.extui %sign3A_57 : i1 to i32
    %sign3A_59 = arith.subi %sign3A_55, %sign3A_58 : i32
    %sign3A_60 = arith.constant 0 : i32
    %sign3A_61 = arith.cmpi sgt, %jit3A_51, %sign3A_60 : i32
    %sign3A_62 = arith.extui %sign3A_61 : i1 to i32
    %sign3A_63 = arith.constant 0 : i32
    %sign3A_64 = arith.cmpi slt, %jit3A_51, %sign3A_63 : i32
    %sign3A_65 = arith.extui %sign3A_64 : i1 to i32
    %sign3A_66 = arith.subi %sign3A_62, %sign3A_65 : i32
    %ne3A_67 = arith.cmpi ne, %sign3A_59, %sign3A_66 : i32
    %rem3A_68 = arith.remsi %add3A_50, %jit3A_51 : i32
    %ne3A_69 = arith.constant 0 : i32
    %ne3A_70 = arith.cmpi ne, %rem3A_68, %ne3A_69 : i32
    %and3A_71 = arith.andi %ne3A_67, %ne3A_70 : i1
    %sub3A_72 = arith.constant 1 : i32
    %sub3A_73 = arith.subi %div3A_52, %sub3A_72 : i32
    %select_n3A_74 = arith.select %and3A_71, %sub3A_73, %div3A_52 : i32
    %mul3A_75 = arith.constant 16 : i32
    %mul3A_76 = arith.muli %select_n3A_74, %mul3A_75 : i32
    %get3A_77 = arith.index_cast %mul3A_76 : i32 to index
    %get3A_78 = tpu.vector_load %arg10[%get3A_77] {strides = array<i32>} : memref<64xi32, #tpu.memory_space<vmem>>, vector<16xi32>,
    %jit3A_79 = arith.constant 16 : i32
    %eq3A_80 = arith.constant 0 : i32
    %eq3A_81 = arith.cmpi eq, %jit3A_79, %eq3A_80 : i32
    %jit3A_82 = arith.constant 1 : i32
    %select_n3A_83 = arith.select %eq3A_81, %jit3A_82, %jit3A_79 : i32
    %rem3A_84 = arith.remsi %add3A_50, %select_n3A_83 : i32
    %ne3A_85 = arith.constant 0 : i32
    %ne3A_86 = arith.cmpi ne, %rem3A_84, %ne3A_85 : i32
    %lt3A_87 = arith.constant 0 : i32
    %lt3A_88 = arith.cmpi slt, %rem3A_84, %lt3A_87 : i32
    %lt3A_89 = arith.constant 0 : i32
    %lt3A_90 = arith.cmpi slt, %select_n3A_83, %lt3A_89 : i32
    %ne3A_91 = arith.xori %lt3A_88, %lt3A_90 : i1
    %and3A_92 = arith.andi %ne3A_91, %ne3A_86 : i1
    %add3A_93 = arith.addi %rem3A_84, %select_n3A_83 : i32
    %select_n3A_94 = arith.select %and3A_92, %add3A_93, %rem3A_84 : i32
    %sub3A_95 = vector.broadcast %select_n3A_94 : i32 to vector<16xi32>
    %sub3A_96 = arith.subi %iota3A, %sub3A_95 : vector<16xi32>
    %abs3A_97 = math.absi %sub3A_96 : vector<16xi32>
    %min3A_98 = arith.constant 1 : i32
    %min3A_99 = vector.broadcast %min3A_98 : i32 to vector<16xi32>
    %min3A_100 = arith.minsi %abs3A_97, %min3A_99 : vector<16xi32>
    %sub3A_101 = arith.constant 1 : i32
    %sub3A_102 = vector.broadcast %sub3A_101 : i32 to vector<16xi32>
    %sub3A_103 = arith.subi %sub3A_102, %min3A_100 : vector<16xi32>
    %mul3A_104 = arith.muli %get3A_78, %sub3A_103 : vector<16xi32>
    %reduce_sum3A_105 = arith.constant true
    %reduce_sum3A_106 = vector.broadcast %reduce_sum3A_105 : i1 to vector<16xi1>
    %reduce_sum3A_107 = tpu.scan <sum>, %mul3A_104 masked %reduce_sum3A_106 : vector<16xi32>, vector<16xi1> -> vector<16xi32>
    %reduce_sum3A_108 = vector.extract %reduce_sum3A_107[15] : i32 from vector<16xi32>
    %jit3A_109 = arith.constant 8 : i32
    %div3A_110 = arith.divsi %reduce_sum3A_48, %jit3A_109 : i32
    %sign3A_111 = arith.constant 0 : i32
    %sign3A_112 = arith.cmpi sgt, %reduce_sum3A_48, %sign3A_111 : i32
    %sign3A_113 = arith.extui %sign3A_112 : i1 to i32
    %sign3A_114 = arith.constant 0 : i32
    %sign3A_115 = arith.cmpi slt, %reduce_sum3A_48, %sign3A_114 : i32
    %sign3A_116 = arith.extui %sign3A_115 : i1 to i32
    %sign3A_117 = arith.subi %sign3A_113, %sign3A_116 : i32
    %sign3A_118 = arith.constant 0 : i32
    %sign3A_119 = arith.cmpi sgt, %jit3A_109, %sign3A_118 : i32
    %sign3A_120 = arith.extui %sign3A_119 : i1 to i32
    %sign3A_121 = arith.constant 0 : i32
    %sign3A_122 = arith.cmpi slt, %jit3A_109, %sign3A_121 : i32
    %sign3A_123 = arith.extui %sign3A_122 : i1 to i32
    %sign3A_124 = arith.subi %sign3A_120, %sign3A_123 : i32
    %ne3A_125 = arith.cmpi ne, %sign3A_117, %sign3A_124 : i32
    %rem3A_126 = arith.remsi %reduce_sum3A_48, %jit3A_109 : i32
    %ne3A_127 = arith.constant 0 : i32
    %ne3A_128 = arith.cmpi ne, %rem3A_126, %ne3A_127 : i32
    %and3A_129 = arith.andi %ne3A_125, %ne3A_128 : i1
    %sub3A_130 = arith.constant 1 : i32
    %sub3A_131 = arith.subi %div3A_110, %sub3A_130 : i32
    %select_n3A_132 = arith.select %and3A_129, %sub3A_131, %div3A_110 : i32
    %mul3A_133 = arith.constant 8 : i32
    %mul3A_134 = arith.muli %select_n3A_132, %mul3A_133 : i32
    %sub3A_135 = arith.subi %reduce_sum3A_108, %mul3A_134 : i32
    %add3A_136 = arith.constant 12800 : i32
    %add3A_137 = arith.addi %sub3A_135, %add3A_136 : i32
    %sub3A_138 = arith.constant 1 : i32
    %sub3A_139 = arith.subi %add3A_137, %sub3A_138 : i32
    %jit3A_140 = arith.constant 12800 : i32
    %div3A_141 = arith.divsi %sub3A_139, %jit3A_140 : i32
    %sign3A_142 = arith.constant 0 : i32
    %sign3A_143 = arith.cmpi sgt, %sub3A_139, %sign3A_142 : i32
    %sign3A_144 = arith.extui %sign3A_143 : i1 to i32
    %sign3A_145 = arith.constant 0 : i32
    %sign3A_146 = arith.cmpi slt, %sub3A_139, %sign3A_145 : i32
    %sign3A_147 = arith.extui %sign3A_146 : i1 to i32
    %sign3A_148 = arith.subi %sign3A_144, %sign3A_147 : i32
    %sign3A_149 = arith.constant 0 : i32
    %sign3A_150 = arith.cmpi sgt, %jit3A_140, %sign3A_149 : i32
    %sign3A_151 = arith.extui %sign3A_150 : i1 to i32
    %sign3A_152 = arith.constant 0 : i32
    %sign3A_153 = arith.cmpi slt, %jit3A_140, %sign3A_152 : i32
    %sign3A_154 = arith.extui %sign3A_153 : i1 to i32
    %sign3A_155 = arith.subi %sign3A_151, %sign3A_154 : i32
    %ne3A_156 = arith.cmpi ne, %sign3A_148, %sign3A_155 : i32
    %rem3A_157 = arith.remsi %sub3A_139, %jit3A_140 : i32
    %ne3A_158 = arith.constant 0 : i32
    %ne3A_159 = arith.cmpi ne, %rem3A_157, %ne3A_158 : i32
    %and3A_160 = arith.andi %ne3A_156, %ne3A_159 : i1
    %sub3A_161 = arith.constant 1 : i32
    %sub3A_162 = arith.subi %div3A_141, %sub3A_161 : i32
    %select_n3A_163 = arith.select %and3A_160, %sub3A_162, %div3A_141 : i32
    %gt3A = arith.constant 0 : i32
    %gt3A_164 = arith.cmpi sgt, %select_n3A_163, %gt3A : i32
    %convert_element_type3A = arith.extui %gt3A_164 : i1 to i32
    %cond3A = arith.constant 0 : i32
    %cond3A_165 = arith.cmpi ne, %convert_element_type3A, %cond3A : i32
    scf.if %cond3A_165 {
      %add3A_193 = arith.constant 0 : i32
      %add3A_194 = arith.addi %mul3A_134, %add3A_193 : i32
      %min3A_195 = arith.constant 787200 : i32
      %min3A_196 = arith.minsi %add3A_194, %min3A_195 : i32
      %dma_start3A = tpu.memref_slice %arg2[%min3A_196] : memref<800000xi32, #tpu.memory_space<hbm>> -> memref<12800xi32, #tpu.memory_space<hbm>>
      %dma_start3A_197 = tpu.memref_slice %arg2[%min3A_196] : memref<800000xi32, #tpu.memory_space<hbm>> -> memref<12800xi32, #tpu.memory_space<hbm>>
      tpu.enqueue_dma source(%dma_start3A_197 : memref<12800xi32, #tpu.memory_space<hbm>>) target(%arg6 : memref<12800xi32, #tpu.memory_space<vmem>>) target_semaphore(%arg12 : memref<!tpu.dma_semaphore, #tpu.memory_space<semaphore_mem>>)
      %dma_start3A_198 = tpu.memref_slice %arg3[%min3A_196] : memref<800000xi32, #tpu.memory_space<hbm>> -> memref<12800xi32, #tpu.memory_space<hbm>>
      %dma_start3A_199 = tpu.memref_slice %arg3[%min3A_196] : memref<800000xi32, #tpu.memory_space<hbm>> -> memref<12800xi32, #tpu.memory_space<hbm>>
      tpu.enqueue_dma source(%dma_start3A_199 : memref<12800xi32, #tpu.memory_space<hbm>>) target(%arg8 : memref<12800xi32, #tpu.memory_space<vmem>>) target_semaphore(%arg12 : memref<!tpu.dma_semaphore, #tpu.memory_space<semaphore_mem>>)
    } else {
    }
    %broadcast_in_dim3A = arith.constant 0.000000e+00 : f32
    %broadcast_in_dim3A_166 = vector.broadcast %broadcast_in_dim3A : f32 to vector<16xf32>
    %scan3A = arith.constant 0 : i32
    %scan3A_167 = arith.constant 512 : i32
    %scan3A_168 = arith.addi %scan3A, %scan3A_167 : i32
    %scan3A_169 = arith.constant 1 : i32
    scf.for %scan3A_193 = %scan3A to %scan3A_168 step %scan3A_169  : i32 {
      %mul3A_194 = arith.constant 1 : i32
      %mul3A_195 = arith.muli %scan3A_193, %mul3A_194 : i32
      %add3A_196 = arith.constant 0 : i32
      %add3A_197 = arith.addi %add3A_196, %mul3A_195 : i32
      %swap3A = arith.index_cast %add3A_197 : i32 to index
      %swap3A_198 = arith.constant 0 : index
      %swap3A_199 = tpu.vector_load %arg11[%swap3A, %swap3A_198] {strides = array<i32>} : memref<512x128xf32, #tpu.memory_space<vmem>>, vector<16xf32>,
      tpu.vector_store %arg11[%swap3A, %swap3A_198], %broadcast_in_dim3A_166 {strides = array<i32>} : memref<512x128xf32, #tpu.memory_space<vmem>>, vector<16xf32>,
      %swap3A_200 = arith.index_cast %add3A_197 : i32 to index
      %swap3A_201 = arith.constant 16 : index
      %swap3A_202 = tpu.vector_load %arg11[%swap3A_200, %swap3A_201] {strides = array<i32>} : memref<512x128xf32, #tpu.memory_space<vmem>>, vector<16xf32>,
      tpu.vector_store %arg11[%swap3A_200, %swap3A_201], %broadcast_in_dim3A_166 {strides = array<i32>} : memref<512x128xf32, #tpu.memory_space<vmem>>, vector<16xf32>,
      %swap3A_203 = arith.index_cast %add3A_197 : i32 to index
      %swap3A_204 = arith.constant 32 : index
      %swap3A_205 = tpu.vector_load %arg11[%swap3A_203, %swap3A_204] {strides = array<i32>} : memref<512x128xf32, #tpu.memory_space<vmem>>, vector<16xf32>,
      tpu.vector_store %arg11[%swap3A_203, %swap3A_204], %broadcast_in_dim3A_166 {strides = array<i32>} : memref<512x128xf32, #tpu.memory_space<vmem>>, vector<16xf32>,
      %swap3A_206 = arith.index_cast %add3A_197 : i32 to index
      %swap3A_207 = arith.constant 48 : index
      %swap3A_208 = tpu.vector_load %arg11[%swap3A_206, %swap3A_207] {strides = array<i32>} : memref<512x128xf32, #tpu.memory_space<vmem>>, vector<16xf32>,
      tpu.vector_store %arg11[%swap3A_206, %swap3A_207], %broadcast_in_dim3A_166 {strides = array<i32>} : memref<512x128xf32, #tpu.memory_space<vmem>>, vector<16xf32>,
      %swap3A_209 = arith.index_cast %add3A_197 : i32 to index
      %swap3A_210 = arith.constant 64 : index
      %swap3A_211 = tpu.vector_load %arg11[%swap3A_209, %swap3A_210] {strides = array<i32>} : memref<512x128xf32, #tpu.memory_space<vmem>>, vector<16xf32>,
      tpu.vector_store %arg11[%swap3A_209, %swap3A_210], %broadcast_in_dim3A_166 {strides = array<i32>} : memref<512x128xf32, #tpu.memory_space<vmem>>, vector<16xf32>,
      %swap3A_212 = arith.index_cast %add3A_197 : i32 to index
      %swap3A_213 = arith.constant 80 : index
      %swap3A_214 = tpu.vector_load %arg11[%swap3A_212, %swap3A_213] {strides = array<i32>} : memref<512x128xf32, #tpu.memory_space<vmem>>, vector<16xf32>,
      tpu.vector_store %arg11[%swap3A_212, %swap3A_213], %broadcast_in_dim3A_166 {strides = array<i32>} : memref<512x128xf32, #tpu.memory_space<vmem>>, vector<16xf32>,
      %swap3A_215 = arith.index_cast %add3A_197 : i32 to index
      %swap3A_216 = arith.constant 96 : index
      %swap3A_217 = tpu.vector_load %arg11[%swap3A_215, %swap3A_216] {strides = array<i32>} : memref<512x128xf32, #tpu.memory_space<vmem>>, vector<16xf32>,
      tpu.vector_store %arg11[%swap3A_215, %swap3A_216], %broadcast_in_dim3A_166 {strides = array<i32>} : memref<512x128xf32, #tpu.memory_space<vmem>>, vector<16xf32>,
      %swap3A_218 = arith.index_cast %add3A_197 : i32 to index
      %swap3A_219 = arith.constant 112 : index
      %swap3A_220 = tpu.vector_load %arg11[%swap3A_218, %swap3A_219] {strides = array<i32>} : memref<512x128xf32, #tpu.memory_space<vmem>>, vector<16xf32>,
      tpu.vector_store %arg11[%swap3A_218, %swap3A_219], %broadcast_in_dim3A_166 {strides = array<i32>} : memref<512x128xf32, #tpu.memory_space<vmem>>, vector<16xf32>,
    }
    %scan3A_170 = arith.constant 512 : i32
    %sub3A_171 = arith.constant 0 : i32
    %sub3A_172 = arith.subi %select_n3A_163, %sub3A_171 : i32
    %sub3A_173 = arith.constant 1 : i32
    %sub3A_174 = arith.constant 1 : i32
    %sub3A_175 = arith.subi %sub3A_173, %sub3A_174 : i32
    %add3A_176 = arith.addi %sub3A_172, %sub3A_175 : i32
    %div3A_177 = arith.constant 1 : i32
    %div3A_178 = arith.divsi %add3A_176, %div3A_177 : i32
    %while3A = arith.constant 1 : i32
    %while3A_179 = arith.constant 0 : i32
    %while3A_180 = arith.constant 1.000000e+00 : f32
    %while3A_181 = arith.constant 0.000000e+00 : f32
    %while3A_182 = arith.constant 0 : i32
    %while3A_183 = arith.subi %div3A_178, %while3A_182 : i32
    %while3A_184 = arith.addi %while3A_182, %while3A_183 : i32
    %while3A_185 = arith.constant 1 : i32
    %while3A_186 = arith.divsi %while3A_183, %while3A_185 : i32
    %while3A_187 = arith.muli %while3A_186, %while3A_185 : i32
    %while3A_188 = arith.addi %while3A_182, %while3A_187 : i32
    %while3A_189 = arith.constant 1 : i32
    scf.for %while3A_193 = %while3A_182 to %while3A_188 step %while3A_189  : i32 {
      %mul3A_194 = arith.muli %while3A_193, %while3A : i32
      %add3A_195 = arith.addi %while3A_179, %mul3A_194 : i32
      %jit3A_196 = arith.constant 2 : i32
      %eq3A_197 = arith.constant 0 : i32
      %eq3A_198 = arith.cmpi eq, %jit3A_196, %eq3A_197 : i32
      %jit3A_199 = arith.constant 1 : i32
      %select_n3A_200 = arith.select %eq3A_198, %jit3A_199, %jit3A_196 : i32
      %rem3A_201 = arith.remsi %add3A_195, %select_n3A_200 : i32
      %ne3A_202 = arith.constant 0 : i32
      %ne3A_203 = arith.cmpi ne, %rem3A_201, %ne3A_202 : i32
      %lt3A_204 = arith.constant 0 : i32
      %lt3A_205 = arith.cmpi slt, %rem3A_201, %lt3A_204 : i32
      %lt3A_206 = arith.constant 0 : i32
      %lt3A_207 = arith.cmpi slt, %select_n3A_200, %lt3A_206 : i32
      %ne3A_208 = arith.xori %lt3A_205, %lt3A_207 : i1
      %and3A_209 = arith.andi %ne3A_208, %ne3A_203 : i1
      %add3A_210 = arith.addi %rem3A_201, %select_n3A_200 : i32
      %select_n3A_211 = arith.select %and3A_209, %add3A_210, %rem3A_201 : i32
      %eq3A_212 = arith.constant 0 : i32
      %eq3A_213 = arith.cmpi eq, %select_n3A_211, %eq3A_212 : i32
      %convert_element_type3A_214 = arith.extui %eq3A_213 : i1 to i32
      %cond3A_215 = arith.constant 0 : i32
      %cond3A_216 = arith.cmpi ne, %convert_element_type3A_214, %cond3A_215 : i32
      scf.if %cond3A_216 {
        %mul3A_238 = arith.constant 12800 : i32
        %mul3A_239 = arith.muli %add3A_195, %mul3A_238 : i32
        %add3A_240 = arith.addi %mul3A_134, %mul3A_239 : i32
        %min3A_241 = arith.constant 787200 : i32
        %min3A_242 = arith.minsi %add3A_240, %min3A_241 : i32
        %sub3A_243 = arith.subi %add3A_240, %min3A_242 : i32
        %dma_wait3A = tpu.memref_slice %arg2[%min3A_242] : memref<800000xi32, #tpu.memory_space<hbm>> -> memref<12800xi32, #tpu.memory_space<hbm>>
        %dma_wait3A_244 = tpu.memref_slice %arg2[%min3A_242] : memref<800000xi32, #tpu.memory_space<hbm>> -> memref<12800xi32, #tpu.memory_space<hbm>>
        tpu.wait_dma2 semaphore(%arg12 : memref<!tpu.dma_semaphore, #tpu.memory_space<semaphore_mem>>) src(%dma_wait3A_244 : memref<12800xi32, #tpu.memory_space<hbm>>) dst(%arg6 : memref<12800xi32, #tpu.memory_space<vmem>>)
        %dma_wait3A_245 = tpu.memref_slice %arg3[%min3A_242] : memref<800000xi32, #tpu.memory_space<hbm>> -> memref<12800xi32, #tpu.memory_space<hbm>>
        %dma_wait3A_246 = tpu.memref_slice %arg3[%min3A_242] : memref<800000xi32, #tpu.memory_space<hbm>> -> memref<12800xi32, #tpu.memory_space<hbm>>
        tpu.wait_dma2 semaphore(%arg12 : memref<!tpu.dma_semaphore, #tpu.memory_space<semaphore_mem>>) src(%dma_wait3A_246 : memref<12800xi32, #tpu.memory_space<hbm>>) dst(%arg8 : memref<12800xi32, #tpu.memory_space<vmem>>)
        %add3A_247 = arith.constant 1 : i32
        %add3A_248 = arith.addi %add3A_195, %add3A_247 : i32
        %lt3A_249 = arith.cmpi slt, %add3A_248, %select_n3A_163 : i32
        %convert_element_type3A_250 = arith.extui %lt3A_249 : i1 to i32
        %cond3A_251 = arith.constant 0 : i32
        %cond3A_252 = arith.cmpi ne, %convert_element_type3A_250, %cond3A_251 : i32
        scf.if %cond3A_252 {
          %add3A_255 = arith.constant 1 : i32
          %add3A_256 = arith.addi %add3A_195, %add3A_255 : i32
          %mul3A_257 = arith.constant 12800 : i32
          %mul3A_258 = arith.muli %add3A_256, %mul3A_257 : i32
          %add3A_259 = arith.addi %mul3A_134, %mul3A_258 : i32
          %min3A_260 = arith.constant 787200 : i32
          %min3A_261 = arith.minsi %add3A_259, %min3A_260 : i32
          %dma_start3A = tpu.memref_slice %arg2[%min3A_261] : memref<800000xi32, #tpu.memory_space<hbm>> -> memref<12800xi32, #tpu.memory_space<hbm>>
          %dma_start3A_262 = tpu.memref_slice %arg2[%min3A_261] : memref<800000xi32, #tpu.memory_space<hbm>> -> memref<12800xi32, #tpu.memory_space<hbm>>
          tpu.enqueue_dma source(%dma_start3A_262 : memref<12800xi32, #tpu.memory_space<hbm>>) target(%arg7 : memref<12800xi32, #tpu.memory_space<vmem>>) target_semaphore(%arg12 : memref<!tpu.dma_semaphore, #tpu.memory_space<semaphore_mem>>)
          %dma_start3A_263 = tpu.memref_slice %arg3[%min3A_261] : memref<800000xi32, #tpu.memory_space<hbm>> -> memref<12800xi32, #tpu.memory_space<hbm>>
          %dma_start3A_264 = tpu.memref_slice %arg3[%min3A_261] : memref<800000xi32, #tpu.memory_space<hbm>> -> memref<12800xi32, #tpu.memory_space<hbm>>
          tpu.enqueue_dma source(%dma_start3A_264 : memref<12800xi32, #tpu.memory_space<hbm>>) target(%arg9 : memref<12800xi32, #tpu.memory_space<vmem>>) target_semaphore(%arg12 : memref<!tpu.dma_semaphore, #tpu.memory_space<semaphore_mem>>)
        } else {
        }
        %parallel_loop3A = arith.constant 0 : i32
        %parallel_loop3A_253 = arith.constant 800 : i32
        %parallel_loop3A_254 = arith.constant 1 : i32
        scf.for %parallel_loop3A_255 = %parallel_loop3A to %parallel_loop3A_253 step %parallel_loop3A_254  : i32 {
          %parallel_loop3A_256 = arith.constant 16 : i32
          %parallel_loop3A_257 = arith.muli %parallel_loop3A_255, %parallel_loop3A_256 : i32
          %parallel_loop3A_258 = arith.index_cast %parallel_loop3A_257 : i32 to index
          %parallel_loop3A_259 = tpu.vector_load %arg6[%parallel_loop3A_258] {strides = array<i32>} : memref<12800xi32, #tpu.memory_space<vmem>>, vector<16xi32>,
          %parallel_loop3A_260 = arith.constant 16 : i32
          %parallel_loop3A_261 = arith.muli %parallel_loop3A_255, %parallel_loop3A_260 : i32
          %parallel_loop3A_262 = arith.index_cast %parallel_loop3A_261 : i32 to index
          %parallel_loop3A_263 = tpu.vector_load %arg8[%parallel_loop3A_262] {strides = array<i32>} : memref<12800xi32, #tpu.memory_space<vmem>>, vector<16xi32>,
          %parallel_loop3A_264 = vector.broadcast %mul3A_2 : i32 to vector<16xi32>
          %parallel_loop3A_265 = arith.cmpi sge, %parallel_loop3A_263, %parallel_loop3A_264 : vector<16xi32>
          %parallel_loop3A_266 = vector.broadcast %add3A_4 : i32 to vector<16xi32>
          %parallel_loop3A_267 = arith.cmpi slt, %parallel_loop3A_263, %parallel_loop3A_266 : vector<16xi32>
          %parallel_loop3A_268 = arith.andi %parallel_loop3A_265, %parallel_loop3A_267 : vector<16xi1>
          %parallel_loop3A_269 = arith.constant 16 : i32
          %parallel_loop3A_270 = arith.muli %parallel_loop3A_255, %parallel_loop3A_269 : i32
          %parallel_loop3A_271 = arith.subi %sub3A_243, %parallel_loop3A_270 : i32
          %parallel_loop3A_272 = vector.broadcast %parallel_loop3A_271 : i32 to vector<16xi32>
          %parallel_loop3A_273 = arith.cmpi sge, %iota3A, %parallel_loop3A_272 : vector<16xi32>
          %parallel_loop3A_274 = arith.andi %parallel_loop3A_268, %parallel_loop3A_273 : vector<16xi1>
          %parallel_loop3A_275 = vector.broadcast %mul3A_2 : i32 to vector<16xi32>
          %parallel_loop3A_276 = arith.subi %parallel_loop3A_263, %parallel_loop3A_275 : vector<16xi32>
          %parallel_loop3A_277 = arith.constant 0 : i32
          %parallel_loop3A_278 = vector.broadcast %parallel_loop3A_277 : i32 to vector<16xi32>
          %parallel_loop3A_279 = arith.select %parallel_loop3A_274, %parallel_loop3A_276, %parallel_loop3A_278 : vector<16xi1>, vector<16xi32>
          %parallel_loop3A_280 = vector.broadcast %while3A_180 : f32 to vector<16xf32>
          %parallel_loop3A_281 = vector.broadcast %while3A_181 : f32 to vector<16xf32>
          %parallel_loop3A_282 = arith.select %parallel_loop3A_274, %parallel_loop3A_280, %parallel_loop3A_281 : vector<16xi1>, vector<16xf32>
          tpu.vector_store_idx %arg11[%parallel_loop3A_279, %parallel_loop3A_259], %parallel_loop3A_282 {add = true} : memref<512x128xf32, #tpu.memory_space<vmem>>[vector<16xi32>, vector<16xi32>], vector<16xf32>,
        } {sc.loop_unroll_factor = 8 : i64, sc.parallel_access}
      } else {
      }
      %jit3A_217 = arith.constant 2 : i32
      %eq3A_218 = arith.constant 0 : i32
      %eq3A_219 = arith.cmpi eq, %jit3A_217, %eq3A_218 : i32
      %jit3A_220 = arith.constant 1 : i32
      %select_n3A_221 = arith.select %eq3A_219, %jit3A_220, %jit3A_217 : i32
      %rem3A_222 = arith.remsi %add3A_195, %select_n3A_221 : i32
      %ne3A_223 = arith.constant 0 : i32
      %ne3A_224 = arith.cmpi ne, %rem3A_222, %ne3A_223 : i32
      %lt3A_225 = arith.constant 0 : i32
      %lt3A_226 = arith.cmpi slt, %rem3A_222, %lt3A_225 : i32
      %lt3A_227 = arith.constant 0 : i32
      %lt3A_228 = arith.cmpi slt, %select_n3A_221, %lt3A_227 : i32
      %ne3A_229 = arith.xori %lt3A_226, %lt3A_228 : i1
      %and3A_230 = arith.andi %ne3A_229, %ne3A_224 : i1
      %add3A_231 = arith.addi %rem3A_222, %select_n3A_221 : i32
      %select_n3A_232 = arith.select %and3A_230, %add3A_231, %rem3A_222 : i32
      %eq3A_233 = arith.constant 1 : i32
      %eq3A_234 = arith.cmpi eq, %select_n3A_232, %eq3A_233 : i32
      %convert_element_type3A_235 = arith.extui %eq3A_234 : i1 to i32
      %cond3A_236 = arith.constant 0 : i32
      %cond3A_237 = arith.cmpi ne, %convert_element_type3A_235, %cond3A_236 : i32
      scf.if %cond3A_237 {
        %mul3A_238 = arith.constant 12800 : i32
        %mul3A_239 = arith.muli %add3A_195, %mul3A_238 : i32
        %add3A_240 = arith.addi %mul3A_134, %mul3A_239 : i32
        %min3A_241 = arith.constant 787200 : i32
        %min3A_242 = arith.minsi %add3A_240, %min3A_241 : i32
        %sub3A_243 = arith.subi %add3A_240, %min3A_242 : i32
        %dma_wait3A = tpu.memref_slice %arg2[%min3A_242] : memref<800000xi32, #tpu.memory_space<hbm>> -> memref<12800xi32, #tpu.memory_space<hbm>>
        %dma_wait3A_244 = tpu.memref_slice %arg2[%min3A_242] : memref<800000xi32, #tpu.memory_space<hbm>> -> memref<12800xi32, #tpu.memory_space<hbm>>
        tpu.wait_dma2 semaphore(%arg12 : memref<!tpu.dma_semaphore, #tpu.memory_space<semaphore_mem>>) src(%dma_wait3A_244 : memref<12800xi32, #tpu.memory_space<hbm>>) dst(%arg7 : memref<12800xi32, #tpu.memory_space<vmem>>)
        %dma_wait3A_245 = tpu.memref_slice %arg3[%min3A_242] : memref<800000xi32, #tpu.memory_space<hbm>> -> memref<12800xi32, #tpu.memory_space<hbm>>
        %dma_wait3A_246 = tpu.memref_slice %arg3[%min3A_242] : memref<800000xi32, #tpu.memory_space<hbm>> -> memref<12800xi32, #tpu.memory_space<hbm>>
        tpu.wait_dma2 semaphore(%arg12 : memref<!tpu.dma_semaphore, #tpu.memory_space<semaphore_mem>>) src(%dma_wait3A_246 : memref<12800xi32, #tpu.memory_space<hbm>>) dst(%arg9 : memref<12800xi32, #tpu.memory_space<vmem>>)
        %add3A_247 = arith.constant 1 : i32
        %add3A_248 = arith.addi %add3A_195, %add3A_247 : i32
        %lt3A_249 = arith.cmpi slt, %add3A_248, %select_n3A_163 : i32
        %convert_element_type3A_250 = arith.extui %lt3A_249 : i1 to i32
        %cond3A_251 = arith.constant 0 : i32
        %cond3A_252 = arith.cmpi ne, %convert_element_type3A_250, %cond3A_251 : i32
        scf.if %cond3A_252 {
          %add3A_255 = arith.constant 1 : i32
          %add3A_256 = arith.addi %add3A_195, %add3A_255 : i32
          %mul3A_257 = arith.constant 12800 : i32
          %mul3A_258 = arith.muli %add3A_256, %mul3A_257 : i32
          %add3A_259 = arith.addi %mul3A_134, %mul3A_258 : i32
          %min3A_260 = arith.constant 787200 : i32
          %min3A_261 = arith.minsi %add3A_259, %min3A_260 : i32
          %dma_start3A = tpu.memref_slice %arg2[%min3A_261] : memref<800000xi32, #tpu.memory_space<hbm>> -> memref<12800xi32, #tpu.memory_space<hbm>>
          %dma_start3A_262 = tpu.memref_slice %arg2[%min3A_261] : memref<800000xi32, #tpu.memory_space<hbm>> -> memref<12800xi32, #tpu.memory_space<hbm>>
          tpu.enqueue_dma source(%dma_start3A_262 : memref<12800xi32, #tpu.memory_space<hbm>>) target(%arg6 : memref<12800xi32, #tpu.memory_space<vmem>>) target_semaphore(%arg12 : memref<!tpu.dma_semaphore, #tpu.memory_space<semaphore_mem>>)
          %dma_start3A_263 = tpu.memref_slice %arg3[%min3A_261] : memref<800000xi32, #tpu.memory_space<hbm>> -> memref<12800xi32, #tpu.memory_space<hbm>>
          %dma_start3A_264 = tpu.memref_slice %arg3[%min3A_261] : memref<800000xi32, #tpu.memory_space<hbm>> -> memref<12800xi32, #tpu.memory_space<hbm>>
          tpu.enqueue_dma source(%dma_start3A_264 : memref<12800xi32, #tpu.memory_space<hbm>>) target(%arg8 : memref<12800xi32, #tpu.memory_space<vmem>>) target_semaphore(%arg12 : memref<!tpu.dma_semaphore, #tpu.memory_space<semaphore_mem>>)
        } else {
        }
        %parallel_loop3A = arith.constant 0 : i32
        %parallel_loop3A_253 = arith.constant 800 : i32
        %parallel_loop3A_254 = arith.constant 1 : i32
        scf.for %parallel_loop3A_255 = %parallel_loop3A to %parallel_loop3A_253 step %parallel_loop3A_254  : i32 {
          %parallel_loop3A_256 = arith.constant 16 : i32
          %parallel_loop3A_257 = arith.muli %parallel_loop3A_255, %parallel_loop3A_256 : i32
          %parallel_loop3A_258 = arith.index_cast %parallel_loop3A_257 : i32 to index
          %parallel_loop3A_259 = tpu.vector_load %arg7[%parallel_loop3A_258] {strides = array<i32>} : memref<12800xi32, #tpu.memory_space<vmem>>, vector<16xi32>,
          %parallel_loop3A_260 = arith.constant 16 : i32
          %parallel_loop3A_261 = arith.muli %parallel_loop3A_255, %parallel_loop3A_260 : i32
          %parallel_loop3A_262 = arith.index_cast %parallel_loop3A_261 : i32 to index
          %parallel_loop3A_263 = tpu.vector_load %arg9[%parallel_loop3A_262] {strides = array<i32>} : memref<12800xi32, #tpu.memory_space<vmem>>, vector<16xi32>,
          %parallel_loop3A_264 = vector.broadcast %mul3A_2 : i32 to vector<16xi32>
          %parallel_loop3A_265 = arith.cmpi sge, %parallel_loop3A_263, %parallel_loop3A_264 : vector<16xi32>
          %parallel_loop3A_266 = vector.broadcast %add3A_4 : i32 to vector<16xi32>
          %parallel_loop3A_267 = arith.cmpi slt, %parallel_loop3A_263, %parallel_loop3A_266 : vector<16xi32>
          %parallel_loop3A_268 = arith.andi %parallel_loop3A_265, %parallel_loop3A_267 : vector<16xi1>
          %parallel_loop3A_269 = arith.constant 16 : i32
          %parallel_loop3A_270 = arith.muli %parallel_loop3A_255, %parallel_loop3A_269 : i32
          %parallel_loop3A_271 = arith.subi %sub3A_243, %parallel_loop3A_270 : i32
          %parallel_loop3A_272 = vector.broadcast %parallel_loop3A_271 : i32 to vector<16xi32>
          %parallel_loop3A_273 = arith.cmpi sge, %iota3A, %parallel_loop3A_272 : vector<16xi32>
          %parallel_loop3A_274 = arith.andi %parallel_loop3A_268, %parallel_loop3A_273 : vector<16xi1>
          %parallel_loop3A_275 = vector.broadcast %mul3A_2 : i32 to vector<16xi32>
          %parallel_loop3A_276 = arith.subi %parallel_loop3A_263, %parallel_loop3A_275 : vector<16xi32>
          %parallel_loop3A_277 = arith.constant 0 : i32
          %parallel_loop3A_278 = vector.broadcast %parallel_loop3A_277 : i32 to vector<16xi32>
          %parallel_loop3A_279 = arith.select %parallel_loop3A_274, %parallel_loop3A_276, %parallel_loop3A_278 : vector<16xi1>, vector<16xi32>
          %parallel_loop3A_280 = vector.broadcast %while3A_180 : f32 to vector<16xf32>
          %parallel_loop3A_281 = vector.broadcast %while3A_181 : f32 to vector<16xf32>
          %parallel_loop3A_282 = arith.select %parallel_loop3A_274, %parallel_loop3A_280, %parallel_loop3A_281 : vector<16xi1>, vector<16xf32>
          tpu.vector_store_idx %arg11[%parallel_loop3A_279, %parallel_loop3A_259], %parallel_loop3A_282 {add = true} : memref<512x128xf32, #tpu.memory_space<vmem>>[vector<16xi32>, vector<16xi32>], vector<16xf32>,
        } {sc.loop_unroll_factor = 8 : i64, sc.parallel_access}
      } else {
      }
    }
    %while3A_190 = arith.constant 1 : i32
    scf.for %while3A_193 = %while3A_188 to %while3A_184 step %while3A_190  : i32 {
      %mul3A_194 = arith.muli %while3A_193, %while3A : i32
      %add3A_195 = arith.addi %while3A_179, %mul3A_194 : i32
      %jit3A_196 = arith.constant 2 : i32
      %eq3A_197 = arith.constant 0 : i32
      %eq3A_198 = arith.cmpi eq, %jit3A_196, %eq3A_197 : i32
      %jit3A_199 = arith.constant 1 : i32
      %select_n3A_200 = arith.select %eq3A_198, %jit3A_199, %jit3A_196 : i32
      %rem3A_201 = arith.remsi %add3A_195, %select_n3A_200 : i32
      %ne3A_202 = arith.constant 0 : i32
      %ne3A_203 = arith.cmpi ne, %rem3A_201, %ne3A_202 : i32
      %lt3A_204 = arith.constant 0 : i32
      %lt3A_205 = arith.cmpi slt, %rem3A_201, %lt3A_204 : i32
      %lt3A_206 = arith.constant 0 : i32
      %lt3A_207 = arith.cmpi slt, %select_n3A_200, %lt3A_206 : i32
      %ne3A_208 = arith.xori %lt3A_205, %lt3A_207 : i1
      %and3A_209 = arith.andi %ne3A_208, %ne3A_203 : i1
      %add3A_210 = arith.addi %rem3A_201, %select_n3A_200 : i32
      %select_n3A_211 = arith.select %and3A_209, %add3A_210, %rem3A_201 : i32
      %eq3A_212 = arith.constant 0 : i32
      %eq3A_213 = arith.cmpi eq, %select_n3A_211, %eq3A_212 : i32
      %convert_element_type3A_214 = arith.extui %eq3A_213 : i1 to i32
      %cond3A_215 = arith.constant 0 : i32
      %cond3A_216 = arith.cmpi ne, %convert_element_type3A_214, %cond3A_215 : i32
      scf.if %cond3A_216 {
        %mul3A_238 = arith.constant 12800 : i32
        %mul3A_239 = arith.muli %add3A_195, %mul3A_238 : i32
        %add3A_240 = arith.addi %mul3A_134, %mul3A_239 : i32
        %min3A_241 = arith.constant 787200 : i32
        %min3A_242 = arith.minsi %add3A_240, %min3A_241 : i32
        %sub3A_243 = arith.subi %add3A_240, %min3A_242 : i32
        %dma_wait3A = tpu.memref_slice %arg2[%min3A_242] : memref<800000xi32, #tpu.memory_space<hbm>> -> memref<12800xi32, #tpu.memory_space<hbm>>
        %dma_wait3A_244 = tpu.memref_slice %arg2[%min3A_242] : memref<800000xi32, #tpu.memory_space<hbm>> -> memref<12800xi32, #tpu.memory_space<hbm>>
        tpu.wait_dma2 semaphore(%arg12 : memref<!tpu.dma_semaphore, #tpu.memory_space<semaphore_mem>>) src(%dma_wait3A_244 : memref<12800xi32, #tpu.memory_space<hbm>>) dst(%arg6 : memref<12800xi32, #tpu.memory_space<vmem>>)
        %dma_wait3A_245 = tpu.memref_slice %arg3[%min3A_242] : memref<800000xi32, #tpu.memory_space<hbm>> -> memref<12800xi32, #tpu.memory_space<hbm>>
        %dma_wait3A_246 = tpu.memref_slice %arg3[%min3A_242] : memref<800000xi32, #tpu.memory_space<hbm>> -> memref<12800xi32, #tpu.memory_space<hbm>>
        tpu.wait_dma2 semaphore(%arg12 : memref<!tpu.dma_semaphore, #tpu.memory_space<semaphore_mem>>) src(%dma_wait3A_246 : memref<12800xi32, #tpu.memory_space<hbm>>) dst(%arg8 : memref<12800xi32, #tpu.memory_space<vmem>>)
        %add3A_247 = arith.constant 1 : i32
        %add3A_248 = arith.addi %add3A_195, %add3A_247 : i32
        %lt3A_249 = arith.cmpi slt, %add3A_248, %select_n3A_163 : i32
        %convert_element_type3A_250 = arith.extui %lt3A_249 : i1 to i32
        %cond3A_251 = arith.constant 0 : i32
        %cond3A_252 = arith.cmpi ne, %convert_element_type3A_250, %cond3A_251 : i32
        scf.if %cond3A_252 {
          %add3A_255 = arith.constant 1 : i32
          %add3A_256 = arith.addi %add3A_195, %add3A_255 : i32
          %mul3A_257 = arith.constant 12800 : i32
          %mul3A_258 = arith.muli %add3A_256, %mul3A_257 : i32
          %add3A_259 = arith.addi %mul3A_134, %mul3A_258 : i32
          %min3A_260 = arith.constant 787200 : i32
          %min3A_261 = arith.minsi %add3A_259, %min3A_260 : i32
          %dma_start3A = tpu.memref_slice %arg2[%min3A_261] : memref<800000xi32, #tpu.memory_space<hbm>> -> memref<12800xi32, #tpu.memory_space<hbm>>
          %dma_start3A_262 = tpu.memref_slice %arg2[%min3A_261] : memref<800000xi32, #tpu.memory_space<hbm>> -> memref<12800xi32, #tpu.memory_space<hbm>>
          tpu.enqueue_dma source(%dma_start3A_262 : memref<12800xi32, #tpu.memory_space<hbm>>) target(%arg7 : memref<12800xi32, #tpu.memory_space<vmem>>) target_semaphore(%arg12 : memref<!tpu.dma_semaphore, #tpu.memory_space<semaphore_mem>>)
          %dma_start3A_263 = tpu.memref_slice %arg3[%min3A_261] : memref<800000xi32, #tpu.memory_space<hbm>> -> memref<12800xi32, #tpu.memory_space<hbm>>
          %dma_start3A_264 = tpu.memref_slice %arg3[%min3A_261] : memref<800000xi32, #tpu.memory_space<hbm>> -> memref<12800xi32, #tpu.memory_space<hbm>>
          tpu.enqueue_dma source(%dma_start3A_264 : memref<12800xi32, #tpu.memory_space<hbm>>) target(%arg9 : memref<12800xi32, #tpu.memory_space<vmem>>) target_semaphore(%arg12 : memref<!tpu.dma_semaphore, #tpu.memory_space<semaphore_mem>>)
        } else {
        }
        %parallel_loop3A = arith.constant 0 : i32
        %parallel_loop3A_253 = arith.constant 800 : i32
        %parallel_loop3A_254 = arith.constant 1 : i32
        scf.for %parallel_loop3A_255 = %parallel_loop3A to %parallel_loop3A_253 step %parallel_loop3A_254  : i32 {
          %parallel_loop3A_256 = arith.constant 16 : i32
          %parallel_loop3A_257 = arith.muli %parallel_loop3A_255, %parallel_loop3A_256 : i32
          %parallel_loop3A_258 = arith.index_cast %parallel_loop3A_257 : i32 to index
          %parallel_loop3A_259 = tpu.vector_load %arg6[%parallel_loop3A_258] {strides = array<i32>} : memref<12800xi32, #tpu.memory_space<vmem>>, vector<16xi32>,
          %parallel_loop3A_260 = arith.constant 16 : i32
          %parallel_loop3A_261 = arith.muli %parallel_loop3A_255, %parallel_loop3A_260 : i32
          %parallel_loop3A_262 = arith.index_cast %parallel_loop3A_261 : i32 to index
          %parallel_loop3A_263 = tpu.vector_load %arg8[%parallel_loop3A_262] {strides = array<i32>} : memref<12800xi32, #tpu.memory_space<vmem>>, vector<16xi32>,
          %parallel_loop3A_264 = vector.broadcast %mul3A_2 : i32 to vector<16xi32>
          %parallel_loop3A_265 = arith.cmpi sge, %parallel_loop3A_263, %parallel_loop3A_264 : vector<16xi32>
          %parallel_loop3A_266 = vector.broadcast %add3A_4 : i32 to vector<16xi32>
          %parallel_loop3A_267 = arith.cmpi slt, %parallel_loop3A_263, %parallel_loop3A_266 : vector<16xi32>
          %parallel_loop3A_268 = arith.andi %parallel_loop3A_265, %parallel_loop3A_267 : vector<16xi1>
          %parallel_loop3A_269 = arith.constant 16 : i32
          %parallel_loop3A_270 = arith.muli %parallel_loop3A_255, %parallel_loop3A_269 : i32
          %parallel_loop3A_271 = arith.subi %sub3A_243, %parallel_loop3A_270 : i32
          %parallel_loop3A_272 = vector.broadcast %parallel_loop3A_271 : i32 to vector<16xi32>
          %parallel_loop3A_273 = arith.cmpi sge, %iota3A, %parallel_loop3A_272 : vector<16xi32>
          %parallel_loop3A_274 = arith.andi %parallel_loop3A_268, %parallel_loop3A_273 : vector<16xi1>
          %parallel_loop3A_275 = vector.broadcast %mul3A_2 : i32 to vector<16xi32>
          %parallel_loop3A_276 = arith.subi %parallel_loop3A_263, %parallel_loop3A_275 : vector<16xi32>
          %parallel_loop3A_277 = arith.constant 0 : i32
          %parallel_loop3A_278 = vector.broadcast %parallel_loop3A_277 : i32 to vector<16xi32>
          %parallel_loop3A_279 = arith.select %parallel_loop3A_274, %parallel_loop3A_276, %parallel_loop3A_278 : vector<16xi1>, vector<16xi32>
          %parallel_loop3A_280 = vector.broadcast %while3A_180 : f32 to vector<16xf32>
          %parallel_loop3A_281 = vector.broadcast %while3A_181 : f32 to vector<16xf32>
          %parallel_loop3A_282 = arith.select %parallel_loop3A_274, %parallel_loop3A_280, %parallel_loop3A_281 : vector<16xi1>, vector<16xf32>
          tpu.vector_store_idx %arg11[%parallel_loop3A_279, %parallel_loop3A_259], %parallel_loop3A_282 {add = true} : memref<512x128xf32, #tpu.memory_space<vmem>>[vector<16xi32>, vector<16xi32>], vector<16xf32>,
        } {sc.loop_unroll_factor = 8 : i64, sc.parallel_access}
      } else {
      }
      %jit3A_217 = arith.constant 2 : i32
      %eq3A_218 = arith.constant 0 : i32
      %eq3A_219 = arith.cmpi eq, %jit3A_217, %eq3A_218 : i32
      %jit3A_220 = arith.constant 1 : i32
      %select_n3A_221 = arith.select %eq3A_219, %jit3A_220, %jit3A_217 : i32
      %rem3A_222 = arith.remsi %add3A_195, %select_n3A_221 : i32
      %ne3A_223 = arith.constant 0 : i32
      %ne3A_224 = arith.cmpi ne, %rem3A_222, %ne3A_223 : i32
      %lt3A_225 = arith.constant 0 : i32
      %lt3A_226 = arith.cmpi slt, %rem3A_222, %lt3A_225 : i32
      %lt3A_227 = arith.constant 0 : i32
      %lt3A_228 = arith.cmpi slt, %select_n3A_221, %lt3A_227 : i32
      %ne3A_229 = arith.xori %lt3A_226, %lt3A_228 : i1
      %and3A_230 = arith.andi %ne3A_229, %ne3A_224 : i1
      %add3A_231 = arith.addi %rem3A_222, %select_n3A_221 : i32
      %select_n3A_232 = arith.select %and3A_230, %add3A_231, %rem3A_222 : i32
      %eq3A_233 = arith.constant 1 : i32
      %eq3A_234 = arith.cmpi eq, %select_n3A_232, %eq3A_233 : i32
      %convert_element_type3A_235 = arith.extui %eq3A_234 : i1 to i32
      %cond3A_236 = arith.constant 0 : i32
      %cond3A_237 = arith.cmpi ne, %convert_element_type3A_235, %cond3A_236 : i32
      scf.if %cond3A_237 {
        %mul3A_238 = arith.constant 12800 : i32
        %mul3A_239 = arith.muli %add3A_195, %mul3A_238 : i32
        %add3A_240 = arith.addi %mul3A_134, %mul3A_239 : i32
        %min3A_241 = arith.constant 787200 : i32
        %min3A_242 = arith.minsi %add3A_240, %min3A_241 : i32
        %sub3A_243 = arith.subi %add3A_240, %min3A_242 : i32
        %dma_wait3A = tpu.memref_slice %arg2[%min3A_242] : memref<800000xi32, #tpu.memory_space<hbm>> -> memref<12800xi32, #tpu.memory_space<hbm>>
        %dma_wait3A_244 = tpu.memref_slice %arg2[%min3A_242] : memref<800000xi32, #tpu.memory_space<hbm>> -> memref<12800xi32, #tpu.memory_space<hbm>>
        tpu.wait_dma2 semaphore(%arg12 : memref<!tpu.dma_semaphore, #tpu.memory_space<semaphore_mem>>) src(%dma_wait3A_244 : memref<12800xi32, #tpu.memory_space<hbm>>) dst(%arg7 : memref<12800xi32, #tpu.memory_space<vmem>>)
        %dma_wait3A_245 = tpu.memref_slice %arg3[%min3A_242] : memref<800000xi32, #tpu.memory_space<hbm>> -> memref<12800xi32, #tpu.memory_space<hbm>>
        %dma_wait3A_246 = tpu.memref_slice %arg3[%min3A_242] : memref<800000xi32, #tpu.memory_space<hbm>> -> memref<12800xi32, #tpu.memory_space<hbm>>
        tpu.wait_dma2 semaphore(%arg12 : memref<!tpu.dma_semaphore, #tpu.memory_space<semaphore_mem>>) src(%dma_wait3A_246 : memref<12800xi32, #tpu.memory_space<hbm>>) dst(%arg9 : memref<12800xi32, #tpu.memory_space<vmem>>)
        %add3A_247 = arith.constant 1 : i32
        %add3A_248 = arith.addi %add3A_195, %add3A_247 : i32
        %lt3A_249 = arith.cmpi slt, %add3A_248, %select_n3A_163 : i32
        %convert_element_type3A_250 = arith.extui %lt3A_249 : i1 to i32
        %cond3A_251 = arith.constant 0 : i32
        %cond3A_252 = arith.cmpi ne, %convert_element_type3A_250, %cond3A_251 : i32
        scf.if %cond3A_252 {
          %add3A_255 = arith.constant 1 : i32
          %add3A_256 = arith.addi %add3A_195, %add3A_255 : i32
          %mul3A_257 = arith.constant 12800 : i32
          %mul3A_258 = arith.muli %add3A_256, %mul3A_257 : i32
          %add3A_259 = arith.addi %mul3A_134, %mul3A_258 : i32
          %min3A_260 = arith.constant 787200 : i32
          %min3A_261 = arith.minsi %add3A_259, %min3A_260 : i32
          %dma_start3A = tpu.memref_slice %arg2[%min3A_261] : memref<800000xi32, #tpu.memory_space<hbm>> -> memref<12800xi32, #tpu.memory_space<hbm>>
          %dma_start3A_262 = tpu.memref_slice %arg2[%min3A_261] : memref<800000xi32, #tpu.memory_space<hbm>> -> memref<12800xi32, #tpu.memory_space<hbm>>
          tpu.enqueue_dma source(%dma_start3A_262 : memref<12800xi32, #tpu.memory_space<hbm>>) target(%arg6 : memref<12800xi32, #tpu.memory_space<vmem>>) target_semaphore(%arg12 : memref<!tpu.dma_semaphore, #tpu.memory_space<semaphore_mem>>)
          %dma_start3A_263 = tpu.memref_slice %arg3[%min3A_261] : memref<800000xi32, #tpu.memory_space<hbm>> -> memref<12800xi32, #tpu.memory_space<hbm>>
          %dma_start3A_264 = tpu.memref_slice %arg3[%min3A_261] : memref<800000xi32, #tpu.memory_space<hbm>> -> memref<12800xi32, #tpu.memory_space<hbm>>
          tpu.enqueue_dma source(%dma_start3A_264 : memref<12800xi32, #tpu.memory_space<hbm>>) target(%arg8 : memref<12800xi32, #tpu.memory_space<vmem>>) target_semaphore(%arg12 : memref<!tpu.dma_semaphore, #tpu.memory_space<semaphore_mem>>)
        } else {
        }
        %parallel_loop3A = arith.constant 0 : i32
        %parallel_loop3A_253 = arith.constant 800 : i32
        %parallel_loop3A_254 = arith.constant 1 : i32
        scf.for %parallel_loop3A_255 = %parallel_loop3A to %parallel_loop3A_253 step %parallel_loop3A_254  : i32 {
          %parallel_loop3A_256 = arith.constant 16 : i32
          %parallel_loop3A_257 = arith.muli %parallel_loop3A_255, %parallel_loop3A_256 : i32
          %parallel_loop3A_258 = arith.index_cast %parallel_loop3A_257 : i32 to index
          %parallel_loop3A_259 = tpu.vector_load %arg7[%parallel_loop3A_258] {strides = array<i32>} : memref<12800xi32, #tpu.memory_space<vmem>>, vector<16xi32>,
          %parallel_loop3A_260 = arith.constant 16 : i32
          %parallel_loop3A_261 = arith.muli %parallel_loop3A_255, %parallel_loop3A_260 : i32
          %parallel_loop3A_262 = arith.index_cast %parallel_loop3A_261 : i32 to index
          %parallel_loop3A_263 = tpu.vector_load %arg9[%parallel_loop3A_262] {strides = array<i32>} : memref<12800xi32, #tpu.memory_space<vmem>>, vector<16xi32>,
          %parallel_loop3A_264 = vector.broadcast %mul3A_2 : i32 to vector<16xi32>
          %parallel_loop3A_265 = arith.cmpi sge, %parallel_loop3A_263, %parallel_loop3A_264 : vector<16xi32>
          %parallel_loop3A_266 = vector.broadcast %add3A_4 : i32 to vector<16xi32>
          %parallel_loop3A_267 = arith.cmpi slt, %parallel_loop3A_263, %parallel_loop3A_266 : vector<16xi32>
          %parallel_loop3A_268 = arith.andi %parallel_loop3A_265, %parallel_loop3A_267 : vector<16xi1>
          %parallel_loop3A_269 = arith.constant 16 : i32
          %parallel_loop3A_270 = arith.muli %parallel_loop3A_255, %parallel_loop3A_269 : i32
          %parallel_loop3A_271 = arith.subi %sub3A_243, %parallel_loop3A_270 : i32
          %parallel_loop3A_272 = vector.broadcast %parallel_loop3A_271 : i32 to vector<16xi32>
          %parallel_loop3A_273 = arith.cmpi sge, %iota3A, %parallel_loop3A_272 : vector<16xi32>
          %parallel_loop3A_274 = arith.andi %parallel_loop3A_268, %parallel_loop3A_273 : vector<16xi1>
          %parallel_loop3A_275 = vector.broadcast %mul3A_2 : i32 to vector<16xi32>
          %parallel_loop3A_276 = arith.subi %parallel_loop3A_263, %parallel_loop3A_275 : vector<16xi32>
          %parallel_loop3A_277 = arith.constant 0 : i32
          %parallel_loop3A_278 = vector.broadcast %parallel_loop3A_277 : i32 to vector<16xi32>
          %parallel_loop3A_279 = arith.select %parallel_loop3A_274, %parallel_loop3A_276, %parallel_loop3A_278 : vector<16xi1>, vector<16xi32>
          %parallel_loop3A_280 = vector.broadcast %while3A_180 : f32 to vector<16xf32>
          %parallel_loop3A_281 = vector.broadcast %while3A_181 : f32 to vector<16xf32>
          %parallel_loop3A_282 = arith.select %parallel_loop3A_274, %parallel_loop3A_280, %parallel_loop3A_281 : vector<16xi1>, vector<16xf32>
          tpu.vector_store_idx %arg11[%parallel_loop3A_279, %parallel_loop3A_259], %parallel_loop3A_282 {add = true} : memref<512x128xf32, #tpu.memory_space<vmem>>[vector<16xi32>, vector<16xi32>], vector<16xf32>,
        } {sc.loop_unroll_factor = 8 : i64, sc.parallel_access}
      } else {
      }
    }
    %mul3A_191 = arith.constant 512 : i32
    %mul3A_192 = arith.muli %add3A, %mul3A_191 : i32
    "tpu.region"() ({
      %run_scoped3A = tpu.sem_alloc : memref<!tpu.dma_semaphore, #tpu.memory_space<semaphore_mem>>
      %dma_start3A = arith.constant 0 : i32
      %dma_start3A_193 = tpu.memref_slice %arg5[%mul3A_192, %dma_start3A] : memref<16384x128xf32, #tpu.memory_space<hbm>> -> memref<512x128xf32, #tpu.memory_space<hbm>>
      %dma_start3A_194 = arith.constant 0 : i32
      %dma_start3A_195 = tpu.memref_slice %arg5[%mul3A_192, %dma_start3A_194] : memref<16384x128xf32, #tpu.memory_space<hbm>> -> memref<512x128xf32, #tpu.memory_space<hbm>>
      tpu.enqueue_dma source(%arg11 : memref<512x128xf32, #tpu.memory_space<vmem>>) target(%dma_start3A_195 : memref<512x128xf32, #tpu.memory_space<hbm>>) target_semaphore(%run_scoped3A : memref<!tpu.dma_semaphore, #tpu.memory_space<semaphore_mem>>)
      %dma_wait3A = arith.constant 0 : i32
      %dma_wait3A_196 = tpu.memref_slice %arg5[%mul3A_192, %dma_wait3A] : memref<16384x128xf32, #tpu.memory_space<hbm>> -> memref<512x128xf32, #tpu.memory_space<hbm>>
      %dma_wait3A_197 = arith.constant 0 : i32
      %dma_wait3A_198 = tpu.memref_slice %arg5[%mul3A_192, %dma_wait3A_197] : memref<16384x128xf32, #tpu.memory_space<hbm>> -> memref<512x128xf32, #tpu.memory_space<hbm>>
      tpu.wait_dma2 semaphore(%run_scoped3A : memref<!tpu.dma_semaphore, #tpu.memory_space<semaphore_mem>>) src(%arg11 : memref<512x128xf32, #tpu.memory_space<vmem>>) dst(%dma_wait3A_198 : memref<512x128xf32, #tpu.memory_space<hbm>>)
      tpu.yield
    }) : () -> ()
    return
  }
}

module attributes {stable_mosaic.version = 14 : i64} {
  func.func @_mlp_body(%arg0: i32, %arg1: memref<4096x128xf32, #tpu.memory_space<vmem>>, %arg2: memref<128x64xf32, #tpu.memory_space<vmem>>, %arg3: memref<64x64xf32, #tpu.memory_space<vmem>>, %arg4: memref<1x64xf32, #tpu.memory_space<vmem>>, %arg5: memref<64x1xf32, #tpu.memory_space<vmem>>, %arg6: memref<1x1xf32, #tpu.memory_space<vmem>>, %arg7: memref<4096xf32, #tpu.memory_space<vmem>>) attributes {dimension_semantics = [#tpu.dimension_semantics<arbitrary>], iteration_bounds = array<i64: 4>, scalar_prefetch = 0 : i64, scratch_operands = 0 : i64, tpu.core_type = #tpu.core_type<tc>, window_params = [{transform_indices = @transform_0, window_bounds = array<i64: 4096, 128>}, {pipeline_mode = #tpu.pipeline_mode<synchronous>, transform_indices = @transform_1, window_bounds = array<i64: 128, 64>}, {pipeline_mode = #tpu.pipeline_mode<synchronous>, transform_indices = @transform_2, window_bounds = array<i64: 64, 64>}, {pipeline_mode = #tpu.pipeline_mode<synchronous>, transform_indices = @transform_3, window_bounds = array<i64: 1, 64>}, {pipeline_mode = #tpu.pipeline_mode<synchronous>, transform_indices = @transform_4, window_bounds = array<i64: 64, 1>}, {pipeline_mode = #tpu.pipeline_mode<synchronous>, transform_indices = @transform_5, window_bounds = array<i64: 1, 1>}, {transform_indices = @transform_6, window_bounds = array<i64: 4096>}]} {
    %get3A = arith.constant 0 : index
    %get3A_0 = arith.constant 0 : index
    %get3A_1 = vector.load %arg1[%get3A, %get3A_0] : memref<4096x128xf32, #tpu.memory_space<vmem>>, vector<4096x128xf32>
    %reduce_sum3A = arith.constant dense<0.000000e+00> : vector<4096xf32>
    %reduce_sum3A_2 = vector.multi_reduction <add>, %get3A_1, %reduce_sum3A [1] : vector<4096x128xf32> to vector<4096xf32>
    %broadcast_in_dim3A = vector.shape_cast %reduce_sum3A_2 : vector<4096xf32> to vector<4096x1xf32>
    %get3A_3 = arith.constant 0 : index
    %get3A_4 = arith.constant 0 : index
    %get3A_5 = vector.load %arg2[%get3A_3, %get3A_4] : memref<128x64xf32, #tpu.memory_space<vmem>>, vector<128x64xf32>
    %dot_general3A = arith.constant dense<0.000000e+00> : vector<4096x64xf32>
    %dot_general3A_6 = tpu.matmul %get3A_1, %get3A_5, %dot_general3A {dimension_numbers = #tpu.dot_dimension_numbers<[1], [0], [0], [1], [0, 0, 1, 1], [], []>, transpose_lhs_hint = false} : vector<4096x128xf32>, vector<128x64xf32>, vector<4096x64xf32> -> vector<4096x64xf32>
    %max3A = arith.constant 1.000000e+00 : f32
    %max3A_7 = vector.broadcast %max3A : f32 to vector<4096x1xf32>
    %max3A_8 = arith.maximumf %broadcast_in_dim3A, %max3A_7 : vector<4096x1xf32>
    %div3A = vector.broadcast %max3A_8 : vector<4096x1xf32> to vector<4096x64xf32>
    %div3A_9 = arith.divf %dot_general3A_6, %div3A : vector<4096x64xf32>
    %get3A_10 = arith.constant 0 : index
    %get3A_11 = arith.constant 0 : index
    %get3A_12 = vector.load %arg3[%get3A_10, %get3A_11] : memref<64x64xf32, #tpu.memory_space<vmem>>, vector<64x64xf32>
    %dot_general3A_13 = arith.constant dense<0.000000e+00> : vector<4096x64xf32>
    %dot_general3A_14 = tpu.matmul %div3A_9, %get3A_12, %dot_general3A_13 {dimension_numbers = #tpu.dot_dimension_numbers<[1], [0], [0], [1], [0, 0, 1, 1], [], []>, transpose_lhs_hint = false} : vector<4096x64xf32>, vector<64x64xf32>, vector<4096x64xf32> -> vector<4096x64xf32>
    %get3A_15 = arith.constant 0 : index
    %get3A_16 = arith.constant 0 : index
    %get3A_17 = vector.load %arg4[%get3A_15, %get3A_16] : memref<1x64xf32, #tpu.memory_space<vmem>>, vector<1x64xf32>
    %add3A = vector.broadcast %get3A_17 : vector<1x64xf32> to vector<4096x64xf32>
    %add3A_18 = arith.addf %dot_general3A_14, %add3A : vector<4096x64xf32>
    %max3A_19 = arith.constant 0.000000e+00 : f32
    %max3A_20 = vector.broadcast %max3A_19 : f32 to vector<4096x64xf32>
    %max3A_21 = arith.maximumf %add3A_18, %max3A_20 : vector<4096x64xf32>
    %get3A_22 = arith.constant 0 : index
    %get3A_23 = arith.constant 0 : index
    %get3A_24 = vector.load %arg5[%get3A_22, %get3A_23] : memref<64x1xf32, #tpu.memory_space<vmem>>, vector<64x1xf32>
    %dot_general3A_25 = arith.constant dense<0.000000e+00> : vector<4096x1xf32>
    %dot_general3A_26 = tpu.matmul %max3A_21, %get3A_24, %dot_general3A_25 {dimension_numbers = #tpu.dot_dimension_numbers<[1], [0], [0], [1], [0, 0, 1, 1], [], []>, transpose_lhs_hint = false} : vector<4096x64xf32>, vector<64x1xf32>, vector<4096x1xf32> -> vector<4096x1xf32>
    %get3A_27 = arith.constant 0 : index
    %get3A_28 = arith.constant 0 : index
    %get3A_29 = vector.load %arg6[%get3A_27, %get3A_28] : memref<1x1xf32, #tpu.memory_space<vmem>>, vector<1x1xf32>
    %add3A_30 = vector.broadcast %get3A_29 : vector<1x1xf32> to vector<4096x1xf32>
    %add3A_31 = arith.addf %dot_general3A_26, %add3A_30 : vector<4096x1xf32>
    %squeeze3A = vector.shape_cast %add3A_31 : vector<4096x1xf32> to vector<4096xf32>
    %swap3A = arith.constant 0 : index
    %swap3A_32 = vector.load %arg7[%swap3A] : memref<4096xf32, #tpu.memory_space<vmem>>, vector<4096xf32>
    tpu.vector_store %arg7[%swap3A], %squeeze3A {strides = array<i32>} : memref<4096xf32, #tpu.memory_space<vmem>>, vector<4096xf32>,
    return
  }
  func.func @transform_0(%arg0: i32) -> (i32, i32) {
    %c0_i32 = arith.constant 0 : i32
    %c0_i32_0 = arith.constant 0 : i32
    return %arg0, %c0_i32 : i32, i32
  }
  func.func @transform_1(%arg0: i32) -> (i32, i32) {
    %c0_i32 = arith.constant 0 : i32
    %c0_i32_0 = arith.constant 0 : i32
    %c0_i32_1 = arith.constant 0 : i32
    return %c0_i32, %c0_i32_0 : i32, i32
  }
  func.func @transform_2(%arg0: i32) -> (i32, i32) {
    %c0_i32 = arith.constant 0 : i32
    %c0_i32_0 = arith.constant 0 : i32
    %c0_i32_1 = arith.constant 0 : i32
    return %c0_i32, %c0_i32_0 : i32, i32
  }
  func.func @transform_3(%arg0: i32) -> (i32, i32) {
    %c0_i32 = arith.constant 0 : i32
    %c0_i32_0 = arith.constant 0 : i32
    %c0_i32_1 = arith.constant 0 : i32
    return %c0_i32, %c0_i32_0 : i32, i32
  }
  func.func @transform_4(%arg0: i32) -> (i32, i32) {
    %c0_i32 = arith.constant 0 : i32
    %c0_i32_0 = arith.constant 0 : i32
    %c0_i32_1 = arith.constant 0 : i32
    return %c0_i32, %c0_i32_0 : i32, i32
  }
  func.func @transform_5(%arg0: i32) -> (i32, i32) {
    %c0_i32 = arith.constant 0 : i32
    %c0_i32_0 = arith.constant 0 : i32
    %c0_i32_1 = arith.constant 0 : i32
    return %c0_i32, %c0_i32_0 : i32, i32
  }
  func.func @transform_6(%arg0: i32) -> i32 {
    %c0_i32 = arith.constant 0 : i32
    return %arg0 : i32
  }
}

</mosaic_0001>

<sc_bundles>
// kernel: kernel.4.cloned.1.call-start
scs
__scs_entry_jumppad:
0x0: {  	(pc) =	sbr.rel $0x88, $3  }
0x1: {  	(tag) =	ssettag $0x0;
	lr =	simm.s32 $0x1  }
0x2: {  	[smem:$0x3F9A] =	sst lr;
	_ =	strace $0xD0000000  }
0x3: {  	_ = 	snop  }
0x4: {  	_ = 	snop  }
0x5: {  	_ = 	snop  }
0x6: {  	_ = 	snop  }
0x7: {  	_ = 	snop  }
__scs_overlays_trampoline_lowered:
0x8: {  	[smem:$0x3FA9] =	sst s0  }
0x9: {  	[smem:$0x3FAA] =	sst s1  }
0xa: {  	[smem:$0x3FAB] =	sst s2  }
0xb: {  	[smem:$0x3FAC] =	sst s3  }
0xc: {  	[smem:$0x3FAD] =	sst s4  }
0xd: {  	[smem:$0x3FAE] =	sst s5  }
0xe: {  	[smem:$0x3FAF] =	sst s6  }
0xf: {  	[smem:$0x3FB0] =	sst s7  }
0x10: {  	[smem:$0x3FB1] =	sst s8  }
0x11: {  	[smem:$0x3FB2] =	sst s9;
	s0 =	simm.s32 @!p0 $0x0  }
0x12: {  	s1 =	sld [smem:$0x3F98];
	s0 =	simm.s32 @p0 $0x1  }
0x13: {  	[smem:$0x3FB3] =	sst s0;
	s0 =	simm.s32 @!p1 $0x0  }
0x14: {  	s2 =	sld [smem:$0x3F97];
	s0 =	simm.s32 @p1 $0x1  }
0x15: {  	[smem:$0x3FB4] =	sst s0;
	s0 =	simm.s32 @!p2 $0x0  }
0x16: {  	s3 =	sld [smem:$0x3FDB];
	s0 =	simm.s32 @p2 $0x1  }
0x17: {  	s4 =	simm.s32 $0x1BF5;
	[smem:$0x3FB6] =	sst s0  }
0x18: {  	s0 =	sld [smem:$0x3F99];
	_ =	swait.ge [sflag:s4], $0x0  }
0x19: {  	s7 =	sld [smem:$0x3F9A]  }
0x1a: {  	s8 =	sadd.s32 $0xFFFFE003, lr  }
0x1b: {  	s9 =	sadd.s32 $0xFFFFFEF7, lr;
	s5 =	simm.s32 $0xFFFFFFFF;
	p2 =	slt.u32 s8, $0xFFFFF086  }
0x1c: {  	p1 =	slt.u32 s9, $0xF7A;
	s5 =	simm.s32 @!p2 $0x0  }
0x1d: {  	s5 =	simm.s32 @p1 $0x1;
	p0 =	seq.s32 s7, s2  }
0x1e: {  	s7 =	smul.u32 @!p0 $0xF7A, s2;
	p2 =	seq.s32 @!p0 s5, $0x0  }
0x1f: {  	s9 =	smul.u32 $0xF7A, s1;
	s8 =	simm.s32 @!p0 $0x1BF5;
	p2 =	por !p2, p0  }
0x20: {  	[sflag:s8] =	ssyncset.s32 @!p0 $0xFFFFF086;
	s6 =	sadd.s32 @!p0 s3, s7;
	s7 =	simm.s32 @!p0 $0x108  }
0x21: {  	s3 =	sadd.s32 s3, s9;
	s6 =	sadd.s32 @!p0 $0x88, s6;
	s7 =	simm.s32 @p2 $0x1082  }
0x22: {  	[simem:s7], [sflag:s8] =	dma.local @!p0 [hbm:s6], $0xF7A  }
0x23: {  	s9 =	sor.u32 $0xD0000000, s2;
	s6 =	simm.s32 $0x108;
	_ =	swait.ge @!p0 [sflag:s8], $0x0  }
0x24: {  	s3 =	sadd.s32 $0x88, s3;
	s6 =	simm.s32 @!p1 $0x1082;
	[sflag:s4] =	ssyncset.s32 $0xFFFFF086  }
0x25: {  	[simem:s6], [sflag:s4] =	dma.local [hbm:s3], $0xF7A  }
0x26: {  	[smem:$0x3F9A] =	sst s1;
	(tag) =	ssettag s2;
	_ =	strace s9  }
0x27: {  	s1 =	sld [smem:$0x3FAA]  }
0x28: {  	s2 =	sld [smem:$0x3FAB]  }
0x29: {  	s4 =	sld [smem:$0x3FAD]  }
0x2a: {  	p0 =	seq.s32 s5, $0x0;
	s5 =	sld [smem:$0x3FAE]  }
0x2b: {  	s6 =	sld [smem:$0x3FAF]  }
0x2c: {  	s7 =	sld [smem:$0x3FB0]  }
0x2d: {  	s3 =	simm.s32 $0x108;
	s8 =	sld [smem:$0x3FB1]  }
0x2e: {  	s3 =	simm.s32 @!p0 $0x1082;
	s9 =	sld [smem:$0x3FB2]  }
0x2f: {  	lr =	sadd.s32 s0, s3;
	s0 =	sld [smem:$0x3FA9]  }
0x30: {  	s3 =	sld [smem:$0x3FAC]  }
0x31: {  	[smem:$0x3FB5] =	sst s10  }
0x32: {  	s10 =	sld [smem:$0x3FB3];
	_ =	sdelay $0x3  }
0x33: {  	p0 =	seq.s32 s10, $0x1;
	s10 =	sld [smem:$0x3FB5];
	_ =	sdelay $0x3  }
0x34: {  	[smem:$0x3FB5] =	sst s10  }
0x35: {  	s10 =	sld [smem:$0x3FB4];
	_ =	sdelay $0x3  }
0x36: {  	p1 =	seq.s32 s10, $0x1;
	s10 =	sld [smem:$0x3FB5];
	_ =	sdelay $0x3  }
0x37: {  	[smem:$0x3FB5] =	sst s10  }
0x38: {  	s10 =	sld [smem:$0x3FB6]  }
0x39: {  	_ = 	snop;
	(pc) =	sbr.ind lr, $3  }
0x3a: {  	_ = 	snop  }
0x3b: {  	_ = 	snop  }
0x3c: {  	p2 =	seq.s32 s10, $0x1;
	s10 =	sld [smem:$0x3FB5]  }
0x3d: {  	_ =	shalt  }
0x3e: {  	_ =	shalt  }
0x3f: {  	_ =	shalt  }
0x40: {  	_ =	shalt  }
0x41: {  	_ =	shalt  }
0x42: {  	_ =	shalt  }
0x43: {  	_ =	shalt  }
0x44: {  	_ =	shalt  }
0x45: {  	_ =	shalt  }
0x46: {  	_ =	shalt  }
0x47: {  	_ =	shalt  }
0x48: {  	_ =	shalt  }
0x49: {  	_ =	shalt  }
0x4a: {  	_ =	shalt  }
0x4b: {  	_ =	shalt  }
0x4c: {  	_ =	shalt  }
0x4d: {  	_ =	shalt  }
0x4e: {  	_ =	shalt  }
0x4f: {  	_ =	shalt  }
0x50: {  	_ =	shalt  }
0x51: {  	_ =	shalt  }
0x52: {  	_ =	shalt  }
0x53: {  	_ =	shalt  }
0x54: {  	_ =	shalt  }
0x55: {  	_ =	shalt  }
0x56: {  	_ =	shalt  }
0x57: {  	_ =	shalt  }
0x58: {  	_ =	shalt  }
0x59: {  	_ =	shalt  }
0x5a: {  	_ =	shalt  }
0x5b: {  	_ =	shalt  }
0x5c: {  	_ =	shalt  }
0x5d: {  	_ =	shalt  }
0x5e: {  	_ =	shalt  }
0x5f: {  	_ =	shalt  }
0x60: {  	_ =	shalt  }
0x61: {  	_ =	shalt  }
0x62: {  	_ =	shalt  }
0x63: {  	_ =	shalt  }
0x64: {  	_ =	shalt  }
0x65: {  	_ =	shalt  }
0x66: {  	_ =	shalt  }
0x67: {  	_ =	shalt  }
0x68: {  	_ =	shalt  }
0x69: {  	_ =	shalt  }
0x6a: {  	_ =	shalt  }
0x6b: {  	_ =	shalt  }
0x6c: {  	_ =	shalt  }
0x6d: {  	_ =	shalt  }
0x6e: {  	_ =	shalt  }
0x6f: {  	_ =	shalt  }
0x70: {  	_ =	shalt  }
0x71: {  	_ =	shalt  }
0x72: {  	_ =	shalt  }
0x73: {  	_ =	shalt  }
0x74: {  	_ =	shalt  }
0x75: {  	_ =	shalt  }
0x76: {  	_ =	shalt  }
0x77: {  	_ =	shalt  }
0x78: {  	_ =	shalt  }
0x79: {  	_ =	shalt  }
0x7a: {  	_ =	shalt  }
0x7b: {  	_ =	shalt  }
0x7c: {  	_ =	shalt  }
0x7d: {  	_ =	shalt  }
0x7e: {  	_ =	shalt  }
0x7f: {  	_ =	shalt  }
0x80: {  	_ =	shalt  }
0x81: {  	_ =	shalt  }
0x82: {  	_ =	shalt  }
0x83: {  	_ =	shalt  }
0x84: {  	_ =	shalt  }
0x85: {  	_ =	shalt  }
0x86: {  	_ =	shalt  }
0x87: {  	_ =	shalt  }
.Lfunc_end0:
.L_simem_size_0:
called_computation_lowered:
.L_overlay_start_0:
0x88: {  	s2 =	sld [smem:$0x3FD9]  }
0x89: {  	s3 =	sld [smem:$0x3FFE];
	_ =	sdelay $0x1  }
0x8a: {  	s1 =	srdreg.scid  }
0x8b: {  	s0 =	sand.u32 $0x1, s1  }
0x8c: {  	s17 =	sshll.u32 s0, $0xA;
	s2 =	sadd.s32 s3, s2  }
0x8d: {  	s2 =	sadd.s32 s2, s17  }
0x8e: {  	[smem:$0x3FC1] =	sst s2  }
0x8f: {  	_ = 	snop  }
0x90: {  	s2 =	sld [smem:$0x3FC9]  }
0x91: {  	s18 =	sld [smem:$0x3FC8]  }
0x92: {  	s4 =	sld [smem:$0x3FD0];
	(tm) =	ssettm $0x1  }
0x93: {  	s5 =	sld [smem:$0x3FFB];
	_ =	sdelay $0x3  }
0x94: {  	_ =	strace s5  }
0x95: {  	s5 =	sld [smem:$0x3FFC];
	_ =	sdelay $0x3  }
0x96: {  	_ =	strace s5  }
0x97: {  	s5 =	sld [smem:$0x3FFD];
	_ =	sdelay $0x3  }
0x98: {  	_ =	strace s5  }
0x99: {  	_ =	strace $0x8FFFFFFF  }
0x9a: {  	s19 =	sld [smem:$0x3FDB];
	_ =	sdelay $0x1  }
0x9b: {  	s6 =	simm.s32 $_scs_section_size  }
0x9c: {  	s7 =	simm.s32 $_size__tile_overlayer_lowered;
	s8 =	simm.s32 $_tile_overlayer_lowered  }
0x9d: {  	s22 =	simm.s32 $0x1BFF;
	s21 =	sshll.u32 s8, $0x1;
	s5 =	sadd.s32 s6, s19  }
0x9e: {  	s9 =	simm.s32 $0x0;
	s20 =	sshll.u32 s7, $0x1;
	s7 =	sadd.s32 s21, s5  }
0x9f: {  	[timem:s9], [sflag:s22] =	dma.local [hbm:s7], s20  }
0xa0: {  	_ =	swait.ge [sflag:s22], s20  }
0xa1: {  	s6 =	ssub.s32 $0x0, s20;
	[sflag:s22] =	ssyncset.done $0x0  }
0xa2: {  	[sflag:s22] =	ssyncadd.s32 s6;
	_ =	sdelay $0x1  }
0xa3: {  	s23 =	simm.s32 $0x1B8B  }
0xa4: {  	_ =	swait.ge [sflag:s23], $0x1  }
0xa5: {  	[sflag:s23] =	ssyncset.done $0x0  }
0xa6: {  	s25 =	simm.s32 $0x1B8E;
	s24 =	sld [smem:$0x3FFE];
	[sflag:s23] =	ssyncadd.s32 $0xFFFFFFFF  }
0xa7: {  	s26 =	simm.s32 $execute0_lowered;
	[smem:$0x3FD2] =	sst s25  }
0xa8: {  	s7 =	sshll.u32 s26, $0x1;
	_ =	strace $0x80000046;
	[dreg:$0x1] =	wrdreg $0xFFFFFFFF  }
0xa9: {  	s28 =	simm.s32 $_size_execute0_lowered;
	s5 =	sadd.s32 s5, s7;
	[dreg:$0x0] =	wrdreg $0x0  }
0xaa: {  	s7 =	sshll.u32 s28, $0x1;
	[dreg:$0x2] =	wrdreg s5  }
0xab: {  	[dreg:$0x3] =	wrdreg s7  }
0xac: {  	[dreg:$0x4] =	wrdreg $0xC0  }
0xad: {  	_ =	task [dreg:s9], $0x5FFFF  }
0xae: {  	[dreg:$0x1] =	wrdreg $0xFFFFFFFF  }
0xaf: {  	[dreg:$0x0] =	wrdreg $0x60  }
0xb0: {  	[dreg:$0x2] =	wrdreg s2  }
0xb1: {  	[dreg:$0x3] =	wrdreg s18  }
0xb2: {  	[dreg:$0x4] =	wrdreg s4  }
0xb3: {  	[dreg:$0x5] =	wrdreg s24  }
0xb4: {  	[dreg:$0x6] =	wrdreg $0x9  }
0xb5: {  	_ =	task.clear_ibuf [dreg:s9], $0x7FFFF;
	_ =	strace $0x90000046  }
0xb6: {  	s29 =	simm.s32 $0x9;
	_ =	strace $0x80000048  }
0xb7: {  	_ =	swait.ge [sflag:s29], $0x1  }
0xb8: {  	[sflag:s29] =	ssyncadd.s32 $0xFFFFFFFF  }
0xb9: {  	_ =	strace $0x90000048  }
0xba: {  	_ =	sfence  }
0xbb: {  	s30 =	sld [smem:$0x0];
	_ =	sdelay $0x2  }
0xbc: {  	s31 =	sshll.u32 s1, $0xD;
	s1 =	sshrl.u32 s1, $0x2  }
0xbd: {  	s3 =	sand.u32 $0x4000, s31;
	s1 =	sadd.s32 s1, s30  }
0xbe: {  	s0 =	sor.u32 s3, s0;
	s1 =	sshll.u32 s1, $0x11  }
0xbf: {  	s0 =	sor.u32 s1, s0  }
0xc0: {  	s0 =	sadd.s32 $0x8F2B, s0  }
0xc1: {  	[sflag:s0] =	ssyncadd.remote.s32 $0x1  }
0xc2: {  	_ =	sfence.sel $0xFFFF  }
0xc3: {  	[dreg:$0x0] =	wrdreg $0xFFFFFFFF;
	(pc) =	sbr.abs _section_cstart, $3  }
0xc4: {  	[dreg:$0x1] =	wrdreg $0xFFFFFFFF  }
0xc5: {  	_ =	task.clear_ibuf [dreg:s9], $0x2FFFF;
	_ =	strace $0x9FFFFFFF  }
0xc6: {  	(tm) =	ssettm $0x7FFFFFFF  }
0xc7: {  	_ =	shalt  }
tec
execute0_lowered:
.L_overlay_start_1:
0x0: {  	(tag) =	ssettag $0x1  }
0x1: {  	s1 =	rddreg [dreg:$0x0]  }
0x2: {  	s2 =	rddreg [dreg:$0x1]  }
0x3: {  	s3 =	rddreg [dreg:$0x2]  }
0x4: {  	s7 =	rddreg [dreg:$0x3];
	s4 =	srdreg.scid;
	s5 =	simm.s32 $0x0  }
0x5: {  	s11 =	simm.s32 $0x1;
	s12 =	simm.s32 $0xC880;
	s13 =	simm.s32 $0x0  }
0x6: {  	s8 =	sand.u32 $0x1, s4;
	s4 =	stileid.u32;
	[smem:$0x7FF] =	sst s5  }
.Ltmp0:
0x7: {  	s6 =	sshll.u32 s8, $0x4;
	s8 =	ssub.s32 $0x2, s8;
	(pc) =	sbr.rel .LBB2_1-.Ltmp0, $4  }
0x8: {  	_ =	strace $0x80000047;
	s9 =	sor.u32 s4, s6;
	s30 =	sshrl.u32 s8, $0x1  }
0x9: {  	v3 =	vlaneseq.u32;
	v2 =	vmov s4;
	s10 =	sshll.u32 s9, $0xD;
	s9 =	sshll.u32 s9, $0x9;
	s8 =	ssub.s32 s8, s30  }
0xa: {  	vm0 =	veq.s32 v2, v3;
	v2 =	vimm.f32 $0.0e+00;
	s7 =	sadd.s32 s10, s7;
	s31 =	sadd.s32 $0x200, s9;
	s8 =	smax.u32 s8, $0x1  }
0xb: {  	v3 =	vadd.s32 $0x1, v3;
	v0 =	vmov s9;
	s9 =	simm.s32 $0xC800;
	s10 =	simm.s32 $0x2;
	s7 =	sadd.s32 $0xC00, s7;
	v1 =	vmov s31  }
.LBB2_13:
0xc: {  	s13 =	sadd.s32 $0x1, s13  }
0xd: {  	p0 =	sne.s32 s13, s8  }
.Ltmp1:
0xe: {  	_ = 	snop;
	(pc) =	sbr.rel @!p0 .LBB2_14-.Ltmp1, $4  }
0xf: {  	[hbm4b:s7+s5] =	stream.linear.scatter [tilespmem:s12], [sflag:$0x2], $0x10000, $0x38;
	[tilespmem:$0x1C880] =	vst v63  }
0x10: {  	_ =	swait.ge [sflag:s10], $0x10000  }
0x11: {  	[sflag:s10] =	ssyncset.done $0x0  }
0x12: {  	[sflag:s10] =	ssyncadd.s32 $0xFFFF0000  }
.LBB2_1:
0x13: {  	[tilespmem:s9], [sflag:$0x2] =	stream.linear.gather [hbm4b:s3+s5], $0x80, $0x38;
	[tilespmem:$0x1C880] =	vst v63  }
0x14: {  	_ =	swait.ge [sflag:s10], $0x80  }
0x15: {  	[sflag:s10] =	ssyncset.done $0x0  }
0x16: {  	[sflag:s10] =	ssyncadd.s32 $0xFFFFFF80  }
0x17: {  	v4 =	vld [tilespmem:s6+$0xC800];
	_ =	sdelay $0x4  }
0x18: {  	v4 =	vnsel vm0, $0x0, v4  }
0x19: {  	(xrf0) =	vadd.scan.msk.s32 $0xffff, v4  }
0x1a: {  	v4 =	vld [tilespmem:s6+$0xC820];
	_ =	sdelay $0x4  }
0x1b: {  	v4 =	vnsel vm0, $0x0, v4;
	v5, _, _ =	vpop (xrf0)  }
0x1c: {  	(xrf0) =	vadd.scan.msk.s32 $0xffff, v4;
	(v2sf) =	vpush v5, $0xF;
	_ =	sdelay $0x5  }
0x1d: {  	v4, _, _ =	vpop (xrf0)  }
0x1e: {  	(v2sf) =	vpush v4, $0xF;
	_ =	sdelay $0x7  }
0x1f: {  	s14 =	spop (v2sf)  }
0x20: {  	s15 =	sand.u32 $0x7, s14  }
0x21: {  	s16 =	sshra.s32 s14, $0x1F;
	p0 =	slt.s32 s14, $0x1;
	p1 =	sne.s32 s15, $0x0  }
0x22: {  	s29 =	sshrl.u32 s16, $0x1D;
	p0 =	por !p0, !p1  }
0x23: {  	s15 =	simm.s32 $0x1;
	s14 =	sadd.s32 s29, s14;
	p0 =	por !p0, !p0  }
0x24: {  	s14 =	sshrl.u32 s14, $0x3;
	s15 =	simm.s32 @!p0 $0x0  }
0x25: {  	s14 =	ssub.s32 s14, s15  }
0x26: {  	s30 =	spop (v2sf);
	s14 =	sshll.u32 s14, $0x3  }
0x27: {  	s15 =	ssub.s32 s30, s14  }
0x28: {  	s31 =	sadd.s32 $0x31FF, s15  }
0x29: {  	s17 =	smulhi.u32 $0x51EB851F, s31;
	s18 =	sshra.s32 s31, $0x1F  }
0x2a: {  	s18 =	smul.u32 $0x51EB851F, s18;
	_ =	sdelay $0x1  }
0x2b: {  	s17 =	sadd.s32 s18, s17  }
0x2c: {  	s18 =	sshrl.u32 s17, $0x1F;
	s17 =	sshra.s32 s17, $0xC  }
0x2d: {  	s17 =	sadd.s32 s18, s17  }
0x2e: {  	s18 =	smul.u32 $0xFFFFCE00, s17  }
0x2f: {  	s15 =	ssub.s32 $0xFFFFCE01, s15  }
0x30: {  	p5 =	slt.s32 s31, $0x1;
	p6 =	sne.s32 s18, s15  }
0x31: {  	p0 =	por !p5, !p6  }
0x32: {  	s15 =	simm.s32 $0x1;
	p0 =	por !p0, !p0  }
0x33: {  	s15 =	simm.s32 @!p0 $0x0  }
0x34: {  	s15 =	ssub.s32 s17, s15  }
0x35: {  	p0 =	sgt.s32 s15, $0x0  }
0x36: {  	p1 =	slt.s32 @p0 s14, $0xC0300  }
0x37: {  	s16 =	smov.u32 s14;
	p1 =	por !p1, !p0  }
0x38: {  	s16 =	simm.s32 @p1 $0xC0300  }
0x39: {  	s16 =	sshrl.u32 @p0 s16, $0x3  }
0x3a: {  	s18 =	simm.s32 @p0 $0x0;
	s17 =	sadd.s32 @p0 s1, s16  }
0x3b: {  	[tilespmem:s18], [sflag:$0x1] =	stream.linear.gather @p0 [hbm4b:s17+s18], $0x3200, $0x38;
	[tilespmem:$0x1C880] =	vst v63  }
0x3c: {  	s16 =	sadd.s32 @p0 s2, s16;
	s17 =	simm.s32 @p0 $0x6400  }
0x3d: {  	[tilespmem:s17], [sflag:$0x1] =	stream.linear.gather @p0 [hbm4b:s16+s18], $0x3200, $0x38;
	[tilespmem:$0x1C880] =	vst v63  }
0x3e: {  	s16 =	simm.s32 $0x0;
	s17 =	simm.s32 $0x200  }
.LBB2_2:
0x3f: {  	p0 =	seq.s32 s17, $0x3FE00;
	[tilespmem:s16+$0xC8F0] =	vst v2  }
0x40: {  	[tilespmem:s16+$0xC880] =	vst v2  }
0x41: {  	[tilespmem:s16+$0xC890] =	vst v2  }
.Ltmp2:
0x42: {  	[tilespmem:s16+$0xC8A0] =	vst v2;
	(pc) =	sbr.rel @!p0 .LBB2_2-.Ltmp2, $4  }
0x43: {  	[tilespmem:s16+$0xC8B0] =	vst v2  }
0x44: {  	[tilespmem:s16+$0xC8C0] =	vst v2  }
0x45: {  	[tilespmem:s16+$0xC8D0] =	vst v2  }
0x46: {  	[tilespmem:s16+$0xC8E0] =	vst v2;
	s16 =	sshra.s32 s17, $0x2;
	s17 =	sadd.s32 $0x200, s17  }
0x47: {  	[tilespmem:s16+$0xC8F0] =	vst v2  }
0x48: {  	[tilespmem:s16+$0xC880] =	vst v2  }
0x49: {  	[tilespmem:s16+$0xC890] =	vst v2;
	p0 =	slt.s32 s15, $0x1  }
.Ltmp3:
0x4a: {  	[tilespmem:s16+$0xC8A0] =	vst v2;
	(pc) =	sbr.rel @p0 .LBB2_13-.Ltmp3, $4  }
0x4b: {  	[tilespmem:s16+$0xC8B0] =	vst v2  }
0x4c: {  	[tilespmem:s16+$0xC8C0] =	vst v2  }
0x4d: {  	[tilespmem:s16+$0xC8D0] =	vst v2  }
0x4e: {  	[tilespmem:s16+$0xC8E0] =	vst v2  }
.Ltmp4:
0x4f: {  	(pc) =	sbr.rel .LBB2_5-.Ltmp4, $2  }
0x50: {  	_ =	sdelay $0x2  }
0x51: {  	s16 =	sadd.s32 $0xFFFFFF90, s14;
	s20 =	simm.s32 $0x0  }
.LBB2_12:
0x52: {  	p0 =	sne.s32 s17, s15  }
.Ltmp5:
0x53: {  	_ = 	snop;
	(pc) =	sbr.rel @!p0 .LBB2_13-.Ltmp5, $2  }
0x54: {  	_ =	sdelay $0x2  }
0x55: {  	s20 =	smov.u32 s17  }
.LBB2_5:
0x56: {  	s21 =	sand.u32 $0x1, s20  }
0x57: {  	s19 =	smul.u32 $0x3200, s20;
	p0 =	seq.s32 s21, $0x1  }
.Ltmp6:
0x58: {  	_ = 	snop;
	(pc) =	sbr.rel @p0 .LBB2_9-.Ltmp6, $4  }
0x59: {  	_ = 	snop  }
0x5a: {  	s18 =	sadd.s32 s14, s19  }
0x5b: {  	p1 =	slt.s32 s18, $0xC0300  }
0x5c: {  	s18 =	simm.s32 @!p1 $0xC0300  }
0x5d: {  	s17 =	sor.u32 $0x1, s20  }
0x5e: {  	p0 =	sge.s32 s17, s15  }
0x5f: {  	s22 =	smul.u32 @!p0 $0x3200, s17;
	_ =	sdelay $0x1  }
0x60: {  	_ =	swait.ge [sflag:s11], $0x3200;
	s22 =	sadd.s32 @!p0 s14, s22  }
0x61: {  	[sflag:s11] =	ssyncset.done $0x0;
	p1 =	slt.s32 @!p0 s22, $0xC0300  }
0x62: {  	[sflag:s11] =	ssyncadd.s32 $0xFFFFCE00;
	p1 =	por !p1, p0  }
0x63: {  	_ =	swait.ge [sflag:s11], $0x3200;
	s22 =	simm.s32 @p1 $0xC0300  }
0x64: {  	s24 =	simm.s32 @!p0 $0x0;
	[sflag:s11] =	ssyncset.done $0x0;
	s22 =	sshrl.u32 @!p0 s22, $0x3  }
0x65: {  	s25 =	simm.s32 @!p0 $0x3200;
	[sflag:s11] =	ssyncadd.s32 $0xFFFFCE00;
	s23 =	sadd.s32 @!p0 s1, s22  }
0x66: {  	[tilespmem:s25], [sflag:$0x1] =	stream.linear.gather @!p0 [hbm4b:s23+s24], $0x3200, $0x38;
	[tilespmem:$0x1C880] =	vst v63  }
0x67: {  	s29 =	simm.s32 $0x6440;
	s22 =	sadd.s32 @!p0 s2, s22;
	s23 =	simm.s32 @!p0 $0x9600  }
0x68: {  	[tilespmem:s23], [sflag:$0x1] =	stream.linear.gather @!p0 [hbm4b:s22+s24], $0x3200, $0x38;
	[tilespmem:$0x1C880] =	vst v63  }
0x69: {  	s22 =	simm.s32 $0x40;
	v4 =	vld [tilespmem:s29+$0x30]  }
0x6a: {  	v7 =	vld [tilespmem:s22+$0x30]  }
0x6b: {  	s30 =	sadd.s32 s19, s16;
	v8 =	vld [tilespmem:s29+$0xFFFFFFE0]  }
0x6c: {  	s23 =	ssub.s32 s30, s18;
	v11 =	vld [tilespmem:s29+$0xFFFFFFF0]  }
0x6d: {  	s31 =	sadd.s32 $0x70, s23;
	v9 =	vmov s23;
	s0 =	sadd.s32 $0x60, s23;
	v13 =	vld [tilespmem:s29+$0x10]  }
0x6e: {  	s26 =	sadd.s32 $0x50, s23;
	s28 =	sadd.s32 $0x40, s23;
	v15 =	vld [tilespmem:s29+$0x20];
	s30 =	sadd.s32 $0x20, s23;
	v10 =	vmov s31;
	vm2 =	vlt.s32 v9, v3;
	v12 =	vmov s0  }
0x6f: {  	v5 =	vld [tilespmem:s29+$0xFFFFFFC0];
	v14 =	vmov s26;
	v17 =	vmov s28;
	v18 =	vmov s30  }
0x70: {  	v62 =	vld [tilespmem:s22+$0x20];
	vm7 =	vlt.s32 v10, v3;
	vm10 =	vlt.s32 v12, v3;
	vm11 =	vlt.s32 v14, v3  }
0x71: {  	v9 =	vld [tilespmem:s29+$0x0];
	vm1 =	vlt.s32 v4, v1;
	vm3 =	vge.s32 v4, v0;
	v4 =	vsub.s32 v4, v0  }
0x72: {  	v16 =	vand.u32 $0xFFFFFF80, v7;
	v7 =	vand.u32 $0x7F, v7;
	vm4 =	vlt.s32 v8, v1  }
0x73: {  	v6 =	vld [tilespmem:s29+$0xFFFFFFD0];
	vm5 =	vlt.s32 v11, v1;
	vm8 =	vlt.s32 v13, v1;
	vm9 =	vlt.s32 v15, v1  }
0x74: {  	v12 =	vld [tilespmem:s22+$0xFFFFFFE0];
	vm14 =	vge.s32 v13, v0;
	v10 =	vsub.s32 v13, v0;
	vm15 =	vge.s32 v15, v0  }
0x75: {  	v14 =	vld [tilespmem:s22+$0xFFFFFFF0];
	v13 =	vsub.s32 v15, v0;
	v63 =	vand.u32 $0xFFFFFF80, v62;
	vm1 =	vmand vm1, vm2  }
0x76: {  	v4 =	vshll.u32 v4, $0x7;
	vm2 =	vlt.s32 v5, v1;
	vm6 =	vlt.s32 v9, v1  }
0x77: {  	vm4 =	vmand vm4, vm11;
	vm13 =	vge.s32 v9, v0;
	v9 =	vsub.s32 v9, v0  }
0x78: {  	v10 =	vshll.u32 v10, $0x7;
	v13 =	vshll.u32 v13, $0x7;
	vm1 =	vmand vm1, vm3  }
0x79: {  	vm3 =	vlt.s32 v6, v1;
	v9 =	vshll.u32 v9, $0x7;
	v22 =	vand.u32 $0xFFFFFF80, v12  }
0x7a: {  	v23 =	vand.u32 $0xFFFFFF80, v14;
	v12 =	vand.u32 $0x7F, v12;
	v4 =	vnsel vm1, $0x0, v4  }
0x7b: {  	v19 =	vsel vm1, $0x3F800000, v2;
	vm1 =	vmand vm2, vm7;
	vm2 =	vlt.s32 v17, v3  }
0x7c: {  	s29 =	sadd.s32 $0x30, s23;
	vm3 =	vmand vm3, vm10;
	vm10 =	vlt.s32 v18, v3;
	v4 =	vadd.s32 v16, v4  }
0x7d: {  	s31 =	sadd.s32 $0x10, s23;
	v16 =	vmov s29;
	vm5 =	vmand vm5, vm2;
	vm2 =	vge.s32 v5, v0  }
0x7e: {  	vm8 =	vmand vm8, vm10;
	v7 =	vor.u32 v7, v4;
	v4 =	vmov s31  }
0x7f: {  	vm10 =	vge.s32 v8, v0;
	vm7 =	vlt.s32 v16, v3;
	vm12 =	vlt.s32 v4, v3  }
0x80: {  	vm11 =	vmand vm6, vm7;
	v4 =	vsub.s32 v5, v0;
	vm6 =	vge.s32 v6, v0  }
0x81: {  	v5 =	vsub.s32 v6, v0;
	v6 =	vsub.s32 v8, v0;
	v8 =	vsub.s32 v11, v0  }
0x82: {  	v15 =	vld [tilespmem:s22+$0xFFFFFFC0];
	vm7 =	vmand vm1, vm2;
	vm9 =	vmand vm9, vm12;
	vm12 =	vge.s32 v11, v0  }
0x83: {  	v17 =	vld [tilespmem:s22+$0x10];
	vm2 =	vmand vm3, vm6;
	vm6 =	vmand vm4, vm10;
	vm1 =	vmand vm11, vm13  }
0x84: {  	v4 =	vshll.u32 v4, $0x7;
	v5 =	vshll.u32 v5, $0x7;
	v6 =	vshll.u32 v6, $0x7  }
0x85: {  	v16 =	vld [tilespmem:s22+$0x0];
	v8 =	vshll.u32 v8, $0x7;
	vm4 =	vmand vm5, vm12;
	vm5 =	vmand vm8, vm14  }
0x86: {  	v11 =	vld [tilespmem:s22+$0xFFFFFFD0];
	vm3 =	vmand vm9, vm15;
	v4 =	vnsel vm7, $0x0, v4;
	v5 =	vnsel vm2, $0x0, v5  }
0x87: {  	v6 =	vnsel vm6, $0x0, v6;
	v20 =	vnsel vm1, $0x0, v9;
	v9 =	vand.u32 $0xFFFFFF80, v15  }
0x88: {  	v26 =	vand.u32 $0xFFFFFF80, v17;
	v8 =	vnsel vm4, $0x0, v8;
	v21 =	vnsel vm5, $0x0, v10  }
0x89: {  	v24 =	vadd.s32 v9, v4;
	v9 =	vadd.s32 v23, v8;
	v8 =	vand.u32 $0x7F, v15  }
0x8a: {  	v13 =	vnsel vm3, $0x0, v13;
	v4 =	vand.u32 $0xFFFFFF80, v16;
	v8 =	vor.u32 v8, v24  }
0x8b: {  	v10 =	vand.u32 $0xFFFFFF80, v11;
	v15 =	vand.u32 $0x7F, v11;
	v11 =	vand.u32 $0x7F, v17  }
0x8c: {  	v25 =	vadd.s32 v10, v5;
	v5 =	vadd.s32 v22, v6;
	v10 =	vadd.s32 v4, v20  }
0x8d: {  	v6 =	vadd.s32 v26, v21;
	v4 =	vadd.s32 v63, v13;
	v13 =	vand.u32 $0x7F, v14  }
0x8e: {  	s25 =	simm.s32 $0x64C0;
	s24 =	simm.s32 $0x0;
	[tilespmem:v7+s12+$0x0] =	vst.idx.add.f32.msk $0xffff, v19;
	v14 =	vand.u32 $0x7F, v16;
	v7 =	vor.u32 v15, v25;
	v15 =	vand.u32 $0x7F, v62  }
.LBB2_7:
0x8f: {  	v16 =	vld [tilespmem:s25+$0x30];
	s24 =	sadd.s32 $0x8, s24;
	v12 =	vor.u32 v12, v5;
	v9 =	vor.u32 v13, v9;
	v5 =	vor.u32 v14, v10  }
0x90: {  	v13 =	vsel vm7, $0x3F800000, v2;
	v6 =	vor.u32 v11, v6;
	v4 =	vor.u32 v15, v4;
	v10 =	vld [tilespmem:s25+$0xFFFFFFC0];
	p0 =	slt.u32 s24, $0x318  }
0x91: {  	v14 =	vsel vm2, $0x3F800000, v2;
	v15 =	vsel vm6, $0x3F800000, v2;
	v17 =	vsel vm4, $0x3F800000, v2;
	s22 =	sadd.s32 $0x80, s22;
	v11 =	vld [tilespmem:s25+$0xFFFFFFD0]  }
0x92: {  	v19 =	vsel vm1, $0x3F800000, v2;
	v20 =	vsel vm5, $0x3F800000, v2;
	v21 =	vsel vm3, $0x3F800000, v2;
	s23 =	sadd.s32 $0xFFFFFF80, s23;
	v18 =	vld [tilespmem:s22+$0x30]  }
0x93: {  	s26 =	sadd.s32 $0x70, s23;
	s28 =	sadd.s32 $0x60, s23;
	s29 =	sadd.s32 $0x50, s23;
	v23 =	vmov s23;
	v22 =	vld [tilespmem:s25+$0xFFFFFFE0]  }
0x94: {  	s30 =	sadd.s32 $0x30, s23;
	s31 =	sadd.s32 $0x20, s23;
	v24 =	vmov s26;
	s26 =	sadd.s32 $0x40, s23;
	vm2 =	vlt.s32 v23, v3;
	v25 =	vld [tilespmem:s25+$0xFFFFFFF0];
	vm1 =	vlt.s32 v16, v1  }
0x95: {  	s0 =	sadd.s32 $0x10, s23;
	vm3 =	vge.s32 v16, v0;
	v16 =	vsub.s32 v16, v0;
	v23 =	vld [tilespmem:s25+$0x0];
	vm1 =	vmand vm1, vm2  }
0x96: {  	v26 =	vmov s28;
	v16 =	vshll.u32 v16, $0x7;
	v27 =	vld [tilespmem:s25+$0x10];
	vm1 =	vmand vm1, vm3  }
0x97: {  	v28 =	vmov s29;
	v29 =	vld [tilespmem:s25+$0x20];
	v30 =	vand.u32 $0xFFFFFF80, v18;
	v16 =	vnsel vm1, $0x0, v16  }
0x98: {  	v32 =	vmov s26;
	v18 =	vand.u32 $0x7F, v18;
	v31 =	vld [tilespmem:s22+$0xFFFFFFD0];
	v16 =	vadd.s32 v30, v16  }
0x99: {  	v33 =	vmov s30;
	v34 =	vmov s31;
	v30 =	vld [tilespmem:s22+$0xFFFFFFE0];
	v16 =	vor.u32 v18, v16  }
0x9a: {  	v35 =	vmov s0;
	vm2 =	vlt.s32 v10, v1;
	vm3 =	vlt.s32 v11, v1;
	v18 =	vld [tilespmem:s22+$0xFFFFFFF0]  }
0x9b: {  	vm4 =	vlt.s32 v22, v1;
	vm5 =	vlt.s32 v25, v1;
	vm6 =	vlt.s32 v23, v1;
	v36 =	vld [tilespmem:s22+$0x0]  }
0x9c: {  	vm7 =	vlt.s32 v24, v3;
	vm8 =	vlt.s32 v27, v1;
	v24 =	vld [tilespmem:s22+$0x10];
	vm9 =	vlt.s32 v29, v1  }
0x9d: {  	vm10 =	vlt.s32 v26, v3;
	vm11 =	vlt.s32 v28, v3;
	v28 =	vsel vm1, $0x3F800000, v2;
	v26 =	vld [tilespmem:s22+$0x20]  }
0x9e: {  	vm1 =	vmand vm2, vm7;
	vm2 =	vlt.s32 v32, v3;
	vm7 =	vlt.s32 v33, v3;
	[tilespmem:v16+s12+$0x0] =	vst.idx.add.f32.msk $0xffff, v28  }
0x9f: {  	vm12 =	vlt.s32 v35, v3;
	vm3 =	vmand vm3, vm10;
	vm10 =	vlt.s32 v34, v3;
	v16 =	vld [tilespmem:s22+$0xFFFFFFC0]  }
0xa0: {  	vm4 =	vmand vm4, vm11;
	vm5 =	vmand vm5, vm2;
	vm11 =	vmand vm6, vm7;
	[tilespmem:v8+s12+$0x0] =	vst.idx.add.f32.msk $0xffff, v13  }
0xa1: {  	vm2 =	vge.s32 v10, v0;
	vm8 =	vmand vm8, vm10;
	vm9 =	vmand vm9, vm12;
	[tilespmem:v7+s12+$0x0] =	vst.idx.add.f32.msk $0xffff, v14  }
0xa2: {  	vm6 =	vge.s32 v11, v0;
	v8 =	vsub.s32 v11, v0;
	v7 =	vsub.s32 v10, v0  }
0xa3: {  	vm10 =	vge.s32 v22, v0;
	vm12 =	vge.s32 v25, v0;
	v10 =	vsub.s32 v22, v0  }
0xa4: {  	vm13 =	vge.s32 v23, v0;
	v11 =	vsub.s32 v25, v0;
	v13 =	vsub.s32 v23, v0  }
0xa5: {  	vm14 =	vge.s32 v27, v0;
	vm15 =	vge.s32 v29, v0;
	v14 =	vsub.s32 v27, v0  }
0xa6: {  	vm7 =	vmand vm1, vm2;
	vm2 =	vmand vm3, vm6;
	v22 =	vsub.s32 v29, v0;
	[tilespmem:v12+s12+$0x0] =	vst.idx.add.f32.msk $0xffff, v15  }
0xa7: {  	vm1 =	vmand vm11, vm13;
	vm6 =	vmand vm4, vm10;
	vm4 =	vmand vm5, vm12;
	[tilespmem:v9+s12+$0x0] =	vst.idx.add.f32.msk $0xffff, v17  }
0xa8: {  	vm5 =	vmand vm8, vm14;
	vm3 =	vmand vm9, vm15;
	v7 =	vshll.u32 v7, $0x7;
	[tilespmem:v5+s12+$0x0] =	vst.idx.add.f32.msk $0xffff, v19  }
0xa9: {  	v9 =	vshll.u32 v11, $0x7;
	v5 =	vshll.u32 v8, $0x7;
	v8 =	vshll.u32 v10, $0x7;
	[tilespmem:v6+s12+$0x0] =	vst.idx.add.f32.msk $0xffff, v20  }
0xaa: {  	v11 =	vshll.u32 v22, $0x7;
	v10 =	vshll.u32 v14, $0x7;
	v6 =	vshll.u32 v13, $0x7;
	[tilespmem:v4+s12+$0x0] =	vst.idx.add.f32.msk $0xffff, v21  }
0xab: {  	v5 =	vnsel vm2, $0x0, v5;
	v4 =	vnsel vm7, $0x0, v7;
	v7 =	vnsel vm6, $0x0, v8  }
0xac: {  	v12 =	vnsel vm5, $0x0, v10;
	v8 =	vnsel vm4, $0x0, v9;
	v6 =	vnsel vm1, $0x0, v6  }
0xad: {  	v11 =	vnsel vm3, $0x0, v11;
	v10 =	vand.u32 $0xFFFFFF80, v31;
	v9 =	vand.u32 $0xFFFFFF80, v16  }
0xae: {  	v15 =	vand.u32 $0xFFFFFF80, v36;
	v14 =	vand.u32 $0xFFFFFF80, v18;
	v13 =	vand.u32 $0xFFFFFF80, v30  }
0xaf: {  	v19 =	vand.u32 $0xFFFFFF80, v26;
	v17 =	vadd.s32 v9, v4;
	v4 =	vand.u32 $0xFFFFFF80, v24  }
.Ltmp7:
0xb0: {  	v20 =	vadd.s32 v10, v5;
	v5 =	vadd.s32 v13, v7;
	v9 =	vadd.s32 v14, v8;
	(pc) =	sbr.rel @p0 .LBB2_7-.Ltmp7, $4  }
0xb1: {  	v10 =	vadd.s32 v15, v6;
	v6 =	vadd.s32 v4, v12;
	v4 =	vadd.s32 v19, v11  }
0xb2: {  	v7 =	vand.u32 $0x7F, v16;
	v15 =	vand.u32 $0x7F, v31;
	v12 =	vand.u32 $0x7F, v30  }
0xb3: {  	v13 =	vand.u32 $0x7F, v18;
	v14 =	vand.u32 $0x7F, v36;
	v11 =	vand.u32 $0x7F, v24  }
0xb4: {  	s25 =	sadd.s32 $0x80, s25;
	v8 =	vor.u32 v7, v17;
	v7 =	vor.u32 v15, v20;
	v15 =	vand.u32 $0x7F, v26  }
0xb5: {  	_ = 	snop  }
0xb6: {  	v5 =	vor.u32 v12, v5  }
0xb7: {  	v9 =	vor.u32 v13, v9  }
0xb8: {  	v59 =	vsel vm7, $0x3F800000, v2;
	v6 =	vor.u32 v11, v6  }
0xb9: {  	v10 =	vor.u32 v14, v10;
	v60 =	vsel vm2, $0x3F800000, v2;
	[tilespmem:v8+s12+$0x0] =	vst.idx.add.f32.msk $0xffff, v59  }
0xba: {  	v4 =	vor.u32 v15, v4;
	v61 =	vsel vm6, $0x3F800000, v2;
	p0 =	seq.s32 s21, $0x0;
	[tilespmem:v7+s12+$0x0] =	vst.idx.add.f32.msk $0xffff, v60  }
.Ltmp8:
0xbb: {  	v62 =	vsel vm4, $0x3F800000, v2;
	[tilespmem:v5+s12+$0x0] =	vst.idx.add.f32.msk $0xffff, v61;
	(pc) =	sbr.rel @p0 .LBB2_12-.Ltmp8, $4  }
0xbc: {  	v63 =	vsel vm5, $0x3F800000, v2;
	[tilespmem:v9+s12+$0x0] =	vst.idx.add.f32.msk $0xffff, v62  }
0xbd: {  	v5 =	vsel vm1, $0x3F800000, v2;
	[tilespmem:v6+s12+$0x0] =	vst.idx.add.f32.msk $0xffff, v63  }
0xbe: {  	[tilespmem:v10+s12+$0x0] =	vst.idx.add.f32.msk $0xffff, v5;
	v5 =	vsel vm3, $0x3F800000, v2  }
0xbf: {  	[tilespmem:v4+s12+$0x0] =	vst.idx.add.f32.msk $0xffff, v5  }
.LBB2_9:
0xc0: {  	s17 =	sadd.s32 $0x1, s20  }
0xc1: {  	p0 =	sge.s32 s17, s15  }
0xc2: {  	s0 =	smul.u32 @!p0 $0x3200, s17;
	_ =	sdelay $0x1  }
0xc3: {  	_ =	swait.ge [sflag:s11], $0x3200;
	s0 =	sadd.s32 @!p0 s14, s0  }
0xc4: {  	[sflag:s11] =	ssyncset.done $0x0;
	p1 =	slt.s32 @!p0 s0, $0xC0300  }
0xc5: {  	[sflag:s11] =	ssyncadd.s32 $0xFFFFCE00;
	p1 =	por !p1, p0  }
0xc6: {  	_ =	swait.ge [sflag:s11], $0x3200;
	s0 =	simm.s32 @p1 $0xC0300  }
0xc7: {  	[sflag:s11] =	ssyncset.done $0x0;
	s0 =	sshrl.u32 @!p0 s0, $0x3  }
0xc8: {  	s21 =	simm.s32 @!p0 $0x0;
	[sflag:s11] =	ssyncadd.s32 $0xFFFFCE00;
	s20 =	sadd.s32 @!p0 s1, s0  }
0xc9: {  	[tilespmem:s21], [sflag:$0x1] =	stream.linear.gather @!p0 [hbm4b:s20+s21], $0x3200, $0x38;
	[tilespmem:$0x1C880] =	vst v63  }
0xca: {  	s23 =	simm.s32 $0x9640;
	s0 =	sadd.s32 @!p0 s2, s0;
	s20 =	simm.s32 @!p0 $0x6400  }
0xcb: {  	[tilespmem:s20], [sflag:$0x1] =	stream.linear.gather @!p0 [hbm4b:s0+s21], $0x3200, $0x38;
	[tilespmem:$0x1C880] =	vst v63  }
0xcc: {  	s24 =	sadd.s32 s19, s16;
	s19 =	simm.s32 $0x3240;
	v4 =	vld [tilespmem:s23+$0x30]  }
0xcd: {  	v7 =	vld [tilespmem:s19+$0x30]  }
0xce: {  	s18 =	ssub.s32 s24, s18;
	v8 =	vld [tilespmem:s23+$0xFFFFFFE0]  }
0xcf: {  	v9 =	vmov s18;
	v11 =	vld [tilespmem:s23+$0xFFFFFFF0]  }
0xd0: {  	s25 =	sadd.s32 $0x60, s18;
	s26 =	sadd.s32 $0x50, s18;
	vm2 =	vlt.s32 v9, v3;
	v9 =	vld [tilespmem:s23+$0x0]  }
0xd1: {  	s28 =	sadd.s32 $0x40, s18;
	s30 =	sadd.s32 $0x20, s18;
	v12 =	vmov s25;
	v14 =	vmov s26;
	s20 =	sadd.s32 $0x70, s18;
	v13 =	vld [tilespmem:s23+$0x10]  }
0xd2: {  	v17 =	vmov s28;
	v18 =	vmov s30;
	v10 =	vmov s20;
	v15 =	vld [tilespmem:s23+$0x20]  }
0xd3: {  	vm10 =	vlt.s32 v12, v3;
	vm11 =	vlt.s32 v14, v3;
	v12 =	vld [tilespmem:s19+$0xFFFFFFE0];
	vm7 =	vlt.s32 v10, v3  }
0xd4: {  	v14 =	vld [tilespmem:s19+$0xFFFFFFF0];
	vm1 =	vlt.s32 v4, v1;
	vm3 =	vge.s32 v4, v0;
	v4 =	vsub.s32 v4, v0  }
0xd5: {  	v62 =	vld [tilespmem:s19+$0x20];
	v16 =	vand.u32 $0xFFFFFF80, v7;
	v7 =	vand.u32 $0x7F, v7;
	vm4 =	vlt.s32 v8, v1  }
0xd6: {  	v5 =	vld [tilespmem:s23+$0xFFFFFFC0];
	vm5 =	vlt.s32 v11, v1;
	vm6 =	vlt.s32 v9, v1;
	vm8 =	vlt.s32 v13, v1  }
0xd7: {  	vm9 =	vlt.s32 v15, v1;
	vm13 =	vge.s32 v9, v0;
	v9 =	vsub.s32 v9, v0  }
0xd8: {  	v6 =	vld [tilespmem:s23+$0xFFFFFFD0];
	vm14 =	vge.s32 v13, v0;
	v10 =	vsub.s32 v13, v0;
	vm15 =	vge.s32 v15, v0  }
0xd9: {  	v13 =	vsub.s32 v15, v0;
	v22 =	vand.u32 $0xFFFFFF80, v12;
	v23 =	vand.u32 $0xFFFFFF80, v14  }
0xda: {  	v63 =	vand.u32 $0xFFFFFF80, v62;
	v12 =	vand.u32 $0x7F, v12;
	vm1 =	vmand vm1, vm2  }
0xdb: {  	v4 =	vshll.u32 v4, $0x7;
	vm2 =	vlt.s32 v5, v1;
	vm4 =	vmand vm4, vm11  }
0xdc: {  	v9 =	vshll.u32 v9, $0x7;
	v10 =	vshll.u32 v10, $0x7;
	vm1 =	vmand vm1, vm3  }
0xdd: {  	v13 =	vshll.u32 v13, $0x7;
	vm3 =	vlt.s32 v6, v1;
	v4 =	vnsel vm1, $0x0, v4  }
0xde: {  	v19 =	vsel vm1, $0x3F800000, v2;
	vm1 =	vmand vm2, vm7;
	vm2 =	vlt.s32 v17, v3  }
0xdf: {  	s29 =	sadd.s32 $0x30, s18;
	vm3 =	vmand vm3, vm10;
	vm10 =	vlt.s32 v18, v3;
	v4 =	vadd.s32 v16, v4  }
0xe0: {  	s31 =	sadd.s32 $0x10, s18;
	v16 =	vmov s29;
	vm5 =	vmand vm5, vm2;
	vm2 =	vge.s32 v5, v0  }
0xe1: {  	vm8 =	vmand vm8, vm10;
	v7 =	vor.u32 v7, v4;
	v4 =	vmov s31  }
0xe2: {  	vm10 =	vge.s32 v8, v0;
	vm7 =	vlt.s32 v16, v3;
	vm12 =	vlt.s32 v4, v3  }
0xe3: {  	vm11 =	vmand vm6, vm7;
	v4 =	vsub.s32 v5, v0;
	vm6 =	vge.s32 v6, v0  }
0xe4: {  	v5 =	vsub.s32 v6, v0;
	v6 =	vsub.s32 v8, v0;
	v8 =	vsub.s32 v11, v0  }
0xe5: {  	v15 =	vld [tilespmem:s19+$0xFFFFFFC0];
	vm7 =	vmand vm1, vm2;
	vm9 =	vmand vm9, vm12;
	vm12 =	vge.s32 v11, v0  }
0xe6: {  	v17 =	vld [tilespmem:s19+$0x10];
	vm2 =	vmand vm3, vm6;
	vm6 =	vmand vm4, vm10;
	vm1 =	vmand vm11, vm13  }
0xe7: {  	v4 =	vshll.u32 v4, $0x7;
	v5 =	vshll.u32 v5, $0x7;
	v6 =	vshll.u32 v6, $0x7  }
0xe8: {  	v16 =	vld [tilespmem:s19+$0x0];
	v8 =	vshll.u32 v8, $0x7;
	vm4 =	vmand vm5, vm12;
	vm5 =	vmand vm8, vm14  }
0xe9: {  	v11 =	vld [tilespmem:s19+$0xFFFFFFD0];
	vm3 =	vmand vm9, vm15;
	v4 =	vnsel vm7, $0x0, v4;
	v5 =	vnsel vm2, $0x0, v5  }
0xea: {  	v6 =	vnsel vm6, $0x0, v6;
	v20 =	vnsel vm1, $0x0, v9;
	v9 =	vand.u32 $0xFFFFFF80, v15  }
0xeb: {  	v26 =	vand.u32 $0xFFFFFF80, v17;
	v8 =	vnsel vm4, $0x0, v8;
	v21 =	vnsel vm5, $0x0, v10  }
0xec: {  	v24 =	vadd.s32 v9, v4;
	v9 =	vadd.s32 v23, v8;
	v8 =	vand.u32 $0x7F, v15  }
0xed: {  	v13 =	vnsel vm3, $0x0, v13;
	v4 =	vand.u32 $0xFFFFFF80, v16;
	v8 =	vor.u32 v8, v24  }
0xee: {  	v10 =	vand.u32 $0xFFFFFF80, v11;
	v15 =	vand.u32 $0x7F, v11;
	v11 =	vand.u32 $0x7F, v17  }
0xef: {  	v25 =	vadd.s32 v10, v5;
	v5 =	vadd.s32 v22, v6;
	v10 =	vadd.s32 v4, v20  }
0xf0: {  	v6 =	vadd.s32 v26, v21;
	v4 =	vadd.s32 v63, v13;
	v13 =	vand.u32 $0x7F, v14  }
0xf1: {  	s21 =	simm.s32 $0x96C0;
	s20 =	simm.s32 $0x0;
	[tilespmem:v7+s12+$0x0] =	vst.idx.add.f32.msk $0xffff, v19;
	v14 =	vand.u32 $0x7F, v16;
	v7 =	vor.u32 v15, v25;
	v15 =	vand.u32 $0x7F, v62  }
.LBB2_10:
0xf2: {  	v16 =	vld [tilespmem:s21+$0x30];
	s20 =	sadd.s32 $0x8, s20;
	v12 =	vor.u32 v12, v5;
	v9 =	vor.u32 v13, v9;
	v5 =	vor.u32 v14, v10  }
0xf3: {  	v13 =	vsel vm7, $0x3F800000, v2;
	v6 =	vor.u32 v11, v6;
	v4 =	vor.u32 v15, v4;
	v10 =	vld [tilespmem:s21+$0xFFFFFFC0];
	p0 =	slt.u32 s20, $0x318  }
0xf4: {  	v14 =	vsel vm2, $0x3F800000, v2;
	v15 =	vsel vm6, $0x3F800000, v2;
	v17 =	vsel vm4, $0x3F800000, v2;
	s19 =	sadd.s32 $0x80, s19;
	v11 =	vld [tilespmem:s21+$0xFFFFFFD0]  }
0xf5: {  	v19 =	vsel vm1, $0x3F800000, v2;
	v20 =	vsel vm5, $0x3F800000, v2;
	v21 =	vsel vm3, $0x3F800000, v2;
	s18 =	sadd.s32 $0xFFFFFF80, s18;
	v18 =	vld [tilespmem:s19+$0x30]  }
0xf6: {  	s0 =	sadd.s32 $0x70, s18;
	s22 =	sadd.s32 $0x60, s18;
	s23 =	sadd.s32 $0x50, s18;
	v23 =	vmov s18;
	v22 =	vld [tilespmem:s21+$0xFFFFFFE0]  }
0xf7: {  	s24 =	sadd.s32 $0x30, s18;
	s25 =	sadd.s32 $0x20, s18;
	v24 =	vmov s0;
	s0 =	sadd.s32 $0x40, s18;
	vm2 =	vlt.s32 v23, v3;
	v25 =	vld [tilespmem:s21+$0xFFFFFFF0];
	vm1 =	vlt.s32 v16, v1  }
0xf8: {  	s26 =	sadd.s32 $0x10, s18;
	vm3 =	vge.s32 v16, v0;
	v16 =	vsub.s32 v16, v0;
	v23 =	vld [tilespmem:s21+$0x0];
	vm1 =	vmand vm1, vm2  }
0xf9: {  	v26 =	vmov s22;
	v16 =	vshll.u32 v16, $0x7;
	v27 =	vld [tilespmem:s21+$0x10];
	vm1 =	vmand vm1, vm3  }
0xfa: {  	v28 =	vmov s23;
	v29 =	vld [tilespmem:s21+$0x20];
	v30 =	vand.u32 $0xFFFFFF80, v18;
	v16 =	vnsel vm1, $0x0, v16  }
0xfb: {  	v32 =	vmov s0;
	v18 =	vand.u32 $0x7F, v18;
	v31 =	vld [tilespmem:s19+$0xFFFFFFD0];
	v16 =	vadd.s32 v30, v16  }
0xfc: {  	v33 =	vmov s24;
	v34 =	vmov s25;
	v30 =	vld [tilespmem:s19+$0xFFFFFFE0];
	v16 =	vor.u32 v18, v16  }
0xfd: {  	v35 =	vmov s26;
	vm2 =	vlt.s32 v10, v1;
	vm3 =	vlt.s32 v11, v1;
	v18 =	vld [tilespmem:s19+$0xFFFFFFF0]  }
0xfe: {  	vm4 =	vlt.s32 v22, v1;
	vm5 =	vlt.s32 v25, v1;
	vm6 =	vlt.s32 v23, v1;
	v36 =	vld [tilespmem:s19+$0x0]  }
0xff: {  	vm7 =	vlt.s32 v24, v3;
	vm8 =	vlt.s32 v27, v1;
	v24 =	vld [tilespmem:s19+$0x10];
	vm9 =	vlt.s32 v29, v1  }
0x100: {  	vm10 =	vlt.s32 v26, v3;
	vm11 =	vlt.s32 v28, v3;
	v28 =	vsel vm1, $0x3F800000, v2;
	v26 =	vld [tilespmem:s19+$0x20]  }
0x101: {  	vm1 =	vmand vm2, vm7;
	vm2 =	vlt.s32 v32, v3;
	vm7 =	vlt.s32 v33, v3;
	[tilespmem:v16+s12+$0x0] =	vst.idx.add.f32.msk $0xffff, v28  }
0x102: {  	vm12 =	vlt.s32 v35, v3;
	vm3 =	vmand vm3, vm10;
	vm10 =	vlt.s32 v34, v3;
	v16 =	vld [tilespmem:s19+$0xFFFFFFC0]  }
0x103: {  	vm4 =	vmand vm4, vm11;
	vm5 =	vmand vm5, vm2;
	vm11 =	vmand vm6, vm7;
	[tilespmem:v8+s12+$0x0] =	vst.idx.add.f32.msk $0xffff, v13  }
0x104: {  	vm2 =	vge.s32 v10, v0;
	vm8 =	vmand vm8, vm10;
	vm9 =	vmand vm9, vm12;
	[tilespmem:v7+s12+$0x0] =	vst.idx.add.f32.msk $0xffff, v14  }
0x105: {  	vm6 =	vge.s32 v11, v0;
	v8 =	vsub.s32 v11, v0;
	v7 =	vsub.s32 v10, v0  }
0x106: {  	vm10 =	vge.s32 v22, v0;
	vm12 =	vge.s32 v25, v0;
	v10 =	vsub.s32 v22, v0  }
0x107: {  	vm13 =	vge.s32 v23, v0;
	v11 =	vsub.s32 v25, v0;
	v13 =	vsub.s32 v23, v0  }
0x108: {  	vm14 =	vge.s32 v27, v0;
	vm15 =	vge.s32 v29, v0;
	v14 =	vsub.s32 v27, v0  }
0x109: {  	vm7 =	vmand vm1, vm2;
	vm2 =	vmand vm3, vm6;
	v22 =	vsub.s32 v29, v0;
	[tilespmem:v12+s12+$0x0] =	vst.idx.add.f32.msk $0xffff, v15  }
0x10a: {  	vm1 =	vmand vm11, vm13;
	vm6 =	vmand vm4, vm10;
	vm4 =	vmand vm5, vm12;
	[tilespmem:v9+s12+$0x0] =	vst.idx.add.f32.msk $0xffff, v17  }
0x10b: {  	vm5 =	vmand vm8, vm14;
	vm3 =	vmand vm9, vm15;
	v7 =	vshll.u32 v7, $0x7;
	[tilespmem:v5+s12+$0x0] =	vst.idx.add.f32.msk $0xffff, v19  }
0x10c: {  	v9 =	vshll.u32 v11, $0x7;
	v5 =	vshll.u32 v8, $0x7;
	v8 =	vshll.u32 v10, $0x7;
	[tilespmem:v6+s12+$0x0] =	vst.idx.add.f32.msk $0xffff, v20  }
0x10d: {  	v11 =	vshll.u32 v22, $0x7;
	v10 =	vshll.u32 v14, $0x7;
	v6 =	vshll.u32 v13, $0x7;
	[tilespmem:v4+s12+$0x0] =	vst.idx.add.f32.msk $0xffff, v21  }
0x10e: {  	v5 =	vnsel vm2, $0x0, v5;
	v4 =	vnsel vm7, $0x0, v7;
	v7 =	vnsel vm6, $0x0, v8  }
0x10f: {  	v12 =	vnsel vm5, $0x0, v10;
	v8 =	vnsel vm4, $0x0, v9;
	v6 =	vnsel vm1, $0x0, v6  }
0x110: {  	v11 =	vnsel vm3, $0x0, v11;
	v10 =	vand.u32 $0xFFFFFF80, v31;
	v9 =	vand.u32 $0xFFFFFF80, v16  }
0x111: {  	v15 =	vand.u32 $0xFFFFFF80, v36;
	v14 =	vand.u32 $0xFFFFFF80, v18;
	v13 =	vand.u32 $0xFFFFFF80, v30  }
0x112: {  	v19 =	vand.u32 $0xFFFFFF80, v26;
	v17 =	vadd.s32 v9, v4;
	v4 =	vand.u32 $0xFFFFFF80, v24  }
.Ltmp9:
0x113: {  	v20 =	vadd.s32 v10, v5;
	v5 =	vadd.s32 v13, v7;
	v9 =	vadd.s32 v14, v8;
	(pc) =	sbr.rel @p0 .LBB2_10-.Ltmp9, $4  }
0x114: {  	v10 =	vadd.s32 v15, v6;
	v6 =	vadd.s32 v4, v12;
	v4 =	vadd.s32 v19, v11  }
0x115: {  	v7 =	vand.u32 $0x7F, v16;
	v15 =	vand.u32 $0x7F, v31;
	v12 =	vand.u32 $0x7F, v30  }
0x116: {  	v13 =	vand.u32 $0x7F, v18;
	v14 =	vand.u32 $0x7F, v36;
	v11 =	vand.u32 $0x7F, v24  }
0x117: {  	s21 =	sadd.s32 $0x80, s21;
	v8 =	vor.u32 v7, v17;
	v7 =	vor.u32 v15, v20;
	v15 =	vand.u32 $0x7F, v26  }
0x118: {  	_ = 	snop  }
0x119: {  	v5 =	vor.u32 v12, v5  }
0x11a: {  	v9 =	vor.u32 v13, v9  }
0x11b: {  	v59 =	vsel vm7, $0x3F800000, v2;
	v6 =	vor.u32 v11, v6  }
0x11c: {  	v10 =	vor.u32 v14, v10;
	v60 =	vsel vm2, $0x3F800000, v2;
	[tilespmem:v8+s12+$0x0] =	vst.idx.add.f32.msk $0xffff, v59  }
0x11d: {  	v4 =	vor.u32 v15, v4;
	v61 =	vsel vm6, $0x3F800000, v2;
	[tilespmem:v7+s12+$0x0] =	vst.idx.add.f32.msk $0xffff, v60  }
.Ltmp10:
0x11e: {  	v62 =	vsel vm4, $0x3F800000, v2;
	[tilespmem:v5+s12+$0x0] =	vst.idx.add.f32.msk $0xffff, v61;
	(pc) =	sbr.rel .LBB2_12-.Ltmp10, $4  }
0x11f: {  	v63 =	vsel vm5, $0x3F800000, v2;
	[tilespmem:v9+s12+$0x0] =	vst.idx.add.f32.msk $0xffff, v62  }
0x120: {  	v5 =	vsel vm1, $0x3F800000, v2;
	[tilespmem:v6+s12+$0x0] =	vst.idx.add.f32.msk $0xffff, v63  }
0x121: {  	[tilespmem:v10+s12+$0x0] =	vst.idx.add.f32.msk $0xffff, v5;
	v5 =	vsel vm3, $0x3F800000, v2  }
0x122: {  	[tilespmem:v4+s12+$0x0] =	vst.idx.add.f32.msk $0xffff, v5  }
.LBB2_14:
0x123: {  	_ =	sfence.sel $0x180000  }
0x124: {  	[bflag:$0x0] =	sbarrier.arrive $0xFFFF  }
0x125: {  	_ =	strace $0x90000047  }
0x126: {  	[bflag:$0x2] =	sbarrier.arrive $0xFFFF  }
0x127: {  	p0 =	sne.s32 s4, $0x0;
	s0 =	rddreg [dreg:$0x4]  }
0x128: {  	s0 =	sadd.s32 @!p0 $0x100000, s0  }
0x129: {  	[sflag:s0] =	ssyncadd.tile.s32 @!p0 $0x1;
	_ =	shalt  }
.Lfunc_end2:
_tile_overlayer_lowered:
.L_overlay_start_2:
0x12a: {  	(tag) =	ssettag $0x2  }
0x12b: {  	s0 =	rddreg [dreg:$0x0];
	s2 =	stileid.u32  }
0x12c: {  	s1 =	rddreg [dreg:$0x1];
	p0 =	sne.s32 s2, $0x0  }
0x12d: {  	s3 =	rddreg [dreg:$0x2];
	[bflag:$0x3] =	sbarrier.arrive $0xFFFF;
	s2 =	simm.s32 @!p0 $0x1C02  }
0x12e: {  	[timem:s3], [sflag:s2] =	dma.local @!p0 [hbm:s0], s1  }
0x12f: {  	s0 =	simm.s32 @!p0 $0x2  }
0x130: {  	_ =	swait.ge @!p0 [sflag:s0], s1  }
0x131: {  	s1 =	ssub.s32 @!p0 $0x0, s1;
	[sflag:s0] =	ssyncset.done @!p0 $0x0  }
0x132: {  	[sflag:s0] =	ssyncadd.s32 @!p0 s1  }
0x133: {  	[bflag:$0x3] =	sbarrier.arrive $0xFFFF  }
0x134: {  	_ =	shalt  }

</sc_bundles>
